<compile_context>
chip_gen: v7x
topology: tpu7x:2x2x1
jax: 0.10.2.dev20260603
libtpu: 0.0.44.dev20260713+nightly
codegen_flags: <defaults>
</compile_context>

<pallas_src>
import functools

import jax
import jax.numpy as jnp
from jax import lax
from jax.experimental import pallas as pl
from jax.experimental.pallas import tpu as pltpu
from jax.experimental.pallas import tpu_sc as plsc

_NC = 2
_NS = 16
_NW = _NC * _NS
_CH = 128

_INV_SQRT2 = 0.7071067811865476


def _gelu(v):
    return 0.5 * v * (1.0 + lax.erf(v * _INV_SQRT2))


def _gather_body(nchunks, base_t, extra, row_off, x_hbm, src2d_hbm, xj_hbm,
                 idx_a, idx_b, rows_a, rows_b, sia, sib, sga, sgb, soa, sob):
    c = lax.axis_index("c")
    s = lax.axis_index("s")
    w = s * _NC + c

    def irow(t):
        return jnp.minimum(w + _NW * t, nchunks - 1) + row_off

    def load_idx(buf, sem, t):
        pltpu.async_copy(src2d_hbm.at[irow(t)], buf, sem)

    def wait_idx(buf, sem):
        pltpu.make_async_copy(src2d_hbm.at[0], buf, sem).wait()

    def out_copy(buf, sem, t):
        return pltpu.async_copy(
            buf, xj_hbm.at[pl.ds((w + _NW * t) * _CH, _CH)], sem)

    load_idx(idx_a, sia, 0)
    load_idx(idx_b, sib, 1)

    def pair(q, carry):
        t0 = 2 * q
        wait_idx(idx_a, sia)
        wait_idx(idx_b, sib)
        ga = pltpu.async_copy(x_hbm.at[idx_a], rows_a, sga)
        gb = pltpu.async_copy(x_hbm.at[idx_b], rows_b, sgb)
        ga.wait()
        load_idx(idx_a, sia, t0 + 2)
        oa = out_copy(rows_a, soa, t0)
        gb.wait()
        load_idx(idx_b, sib, t0 + 3)
        ob = out_copy(rows_b, sob, t0 + 1)
        oa.wait()
        ob.wait()
        return carry

    lax.fori_loop(0, base_t // 2, pair, 0)

    wait_idx(idx_a, sia)
    ga = pltpu.async_copy(x_hbm.at[idx_a], rows_a, sga)
    ga.wait()
    oa = out_copy(rows_a, soa, base_t - 1)
    wait_idx(idx_b, sib)

    @pl.when(w < extra)
    def _():
        gb = pltpu.async_copy(x_hbm.at[idx_b], rows_b, sgb)
        gb.wait()
        ob = out_copy(rows_b, sob, base_t)
        ob.wait()

    oa.wait()


def _gather(x, ei2d):
    e = (ei2d.shape[0] // 2) * ei2d.shape[1]
    h = x.shape[1]
    nchunks = e // _CH
    base_t, extra = divmod(nchunks, _NW)
    mesh = plsc.VectorSubcoreMesh(core_axis_name="c", subcore_axis_name="s")
    scratch = [
        pltpu.VMEM((_CH,), jnp.int32),
        pltpu.VMEM((_CH,), jnp.int32),
        pltpu.VMEM((_CH, h), jnp.float32),
        pltpu.VMEM((_CH, h), jnp.float32),
    ] + [pltpu.SemaphoreType.DMA] * 6
    k = functools.partial(
        pl.kernel,
        mesh=mesh,
        out_type=jax.ShapeDtypeStruct((e, h), jnp.float32),
        scratch_types=scratch,
        compiler_params=pltpu.CompilerParams(use_tc_tiling_on_sc=False),
    )(functools.partial(_gather_body, nchunks, base_t, extra, 0))
    return k(x, ei2d)


def _scatter_body(nchunks, base_t, extra, nz, row_off, msg_hbm, dst2d_hbm,
                  zeros_hbm, out_hbm, idx_a, idx_b, msg_a, msg_b, accum,
                  sia, sib, sma, smb):
    c = lax.axis_index("c")
    s = lax.axis_index("s")
    w = s * _NC + c

    pltpu.sync_copy(zeros_hbm.at[pl.ds(s * nz, nz)], accum.at[pl.ds(s * nz, nz)])
    plsc.subcore_barrier()

    def irow(t):
        return jnp.minimum(w + _NW * t, nchunks - 1)

    def load(t, ibuf, isem, mbuf, msem):
        r = irow(t)
        pltpu.async_copy(dst2d_hbm.at[r + row_off], ibuf, isem)
        pltpu.async_copy(msg_hbm.at[pl.ds(r * _CH, _CH)], mbuf, msem)

    def wait_loads(ibuf, isem, mbuf, msem):
        pltpu.make_async_copy(dst2d_hbm.at[0], ibuf, isem).wait()
        pltpu.make_async_copy(msg_hbm.at[pl.ds(0, _CH)], mbuf, msem).wait()

    load(0, idx_a, sia, msg_a, sma)
    load(1, idx_b, sib, msg_b, smb)

    def pair(q, carry):
        t0 = 2 * q
        wait_loads(idx_a, sia, msg_a, sma)
        pltpu.sync_copy(msg_a, accum.at[idx_a], add=True)
        load(t0 + 2, idx_a, sia, msg_a, sma)
        wait_loads(idx_b, sib, msg_b, smb)
        pltpu.sync_copy(msg_b, accum.at[idx_b], add=True)
        load(t0 + 3, idx_b, sib, msg_b, smb)
        return carry

    lax.fori_loop(0, base_t // 2, pair, 0)

    wait_loads(idx_a, sia, msg_a, sma)
    pltpu.sync_copy(msg_a, accum.at[idx_a], add=True)
    wait_loads(idx_b, sib, msg_b, smb)

    @pl.when(w < extra)
    def _():
        pltpu.sync_copy(msg_b, accum.at[idx_b], add=True)

    plsc.subcore_barrier()
    n = nz * _NS
    pltpu.sync_copy(accum.at[pl.ds(s * nz, nz)],
                    out_hbm.at[pl.ds(c * n + s * nz, nz)])


def _scatter_add(msg, ei2d, n_nodes):
    e, h = msg.shape
    nchunks = e // _CH
    base_t, extra = divmod(nchunks, _NW)
    nz = n_nodes // _NS
    zeros = jnp.zeros((n_nodes, h), jnp.float32)
    mesh = plsc.VectorSubcoreMesh(core_axis_name="c", subcore_axis_name="s")
    scratch = [
        pltpu.VMEM((_CH,), jnp.int32),
        pltpu.VMEM((_CH,), jnp.int32),
        pltpu.VMEM((_CH, h), jnp.float32),
        pltpu.VMEM((_CH, h), jnp.float32),
        pltpu.VMEM_SHARED((n_nodes, h), jnp.float32),
    ] + [pltpu.SemaphoreType.DMA] * 4
    k = functools.partial(
        pl.kernel,
        mesh=mesh,
        out_type=jax.ShapeDtypeStruct((_NC * n_nodes, h), jnp.float32),
        scratch_types=scratch,
        compiler_params=pltpu.CompilerParams(use_tc_tiling_on_sc=False),
    )(functools.partial(_scatter_body, nchunks, base_t, extra, nz, nchunks))
    return k(msg, ei2d, zeros)


def _msg_body(h2, ea_ref, xj_ref, w1_ref, b1_ref, w2_ref, r_ref, msg_ref):
    h = _gelu(jnp.dot(ea_ref[...].astype(jnp.bfloat16), w1_ref[...],
                      preferred_element_type=jnp.float32) + b1_ref[...])
    hb = jnp.concatenate(
        [h, jnp.ones_like(h[:, :1])], axis=1).astype(jnp.bfloat16)
    xjb = xj_ref[...].astype(jnp.bfloat16)
    ck = 256
    acc = None
    for c in range(0, h2 * h2, ck):
        we = jnp.dot(hb, w2_ref[:, c:c + ck],
                     preferred_element_type=jnp.float32)
        xr = jnp.dot(xjb, r_ref[:, c:c + ck],
                     preferred_element_type=jnp.float32)
        p = we * xr
        p = p[:, :128] + p[:, 128:]
        acc = p if acc is None else acc + p
    acc = acc[:, :64] + acc[:, 64:]
    msg_ref[...] = acc[:, :32] + acc[:, 32:]


def _messages(edge_attr, xj, w1, b1, w2, b2):
    e, d = edge_attr.shape
    h = xj.shape[1]
    blk = 4000
    grid = (e // blk,)
    rep = jnp.repeat(jnp.eye(h, dtype=jnp.bfloat16), h, axis=1)
    w2b = jnp.concatenate([w2, b2.reshape(1, h * h)],
                          axis=0).astype(jnp.bfloat16)
    return pl.pallas_call(
        functools.partial(_msg_body, h),
        grid=grid,
        in_specs=[
            pl.BlockSpec((blk, d), lambda i: (i, 0)),
            pl.BlockSpec((blk, h), lambda i: (i, 0)),
            pl.BlockSpec((d, h), lambda i: (0, 0)),
            pl.BlockSpec((1, h), lambda i: (0, 0)),
            pl.BlockSpec((h + 1, h * h), lambda i: (0, 0)),
            pl.BlockSpec((h, h * h), lambda i: (0, 0)),
        ],
        out_specs=pl.BlockSpec((blk, h), lambda i: (i, 0)),
        out_shape=jax.ShapeDtypeStruct((e, h), jnp.float32),
        compiler_params=pltpu.CompilerParams(
            dimension_semantics=("parallel",)),
    )(edge_attr, xj, w1.astype(jnp.bfloat16), b1.reshape(1, h), w2b, rep)


def _update_body(x_ref, p0_ref, p1_ref, root_ref, bias_ref, g_ref, b_ref,
                 out_ref):
    xb = x_ref[...]
    a = (p0_ref[...] + p1_ref[...]
         + jnp.dot(xb, root_ref[...], preferred_element_type=jnp.float32)
         + bias_ref[...])
    hh = _gelu(a) + xb
    mu = jnp.mean(hh, axis=1, keepdims=True)
    dlt = hh - mu
    var = jnp.mean(dlt * dlt, axis=1, keepdims=True)
    out_ref[...] = g_ref[...] * dlt * lax.rsqrt(var + 1e-5) + b_ref[...]


def _update(x, parts, root, bias, gamma, beta):
    n, h = x.shape
    blk = 2000
    grid = (n // blk,)
    off = n // blk
    row = lambda i: (i, 0)
    fix = lambda i: (0, 0)
    return pl.pallas_call(
        _update_body,
        grid=grid,
        in_specs=[
            pl.BlockSpec((blk, h), row),
            pl.BlockSpec((blk, h), row),
            pl.BlockSpec((blk, h), lambda i: (i + off, 0)),
            pl.BlockSpec((h, h), fix),
            pl.BlockSpec((1, h), fix),
            pl.BlockSpec((1, h), fix),
            pl.BlockSpec((1, h), fix),
        ],
        out_specs=pl.BlockSpec((blk, h), row),
        out_shape=jax.ShapeDtypeStruct((n, h), jnp.float32),
    )(x, parts, parts, root, bias.reshape(1, h), gamma.reshape(1, h),
      beta.reshape(1, h))


def kernel(x, edge_index, edge_attr, W1, b1, W2, b2, root, bias, gamma, beta):
    n = x.shape[0]
    e = edge_index.shape[1]
    ei2d = edge_index.reshape(2 * (e // _CH), _CH)
    xj = _gather(x, ei2d)
    msg = _messages(edge_attr, xj, W1, b1, W2, b2)
    parts = _scatter_add(msg, ei2d, n)
    return _update(x, parts, root, bias, gamma, beta)

# --- scband reference (transcript-rebuilt; emitter-appended) ---
"""Pipeline reference for scband-edge-residual-graph-block-65352222376579 (READ-ONLY COPY).

The authoritative reference and input builder live on the scoring server;
editing this copy changes nothing except your own understanding.
"""

import jax, jax.numpy as jnp
import numpy as np

HIDDEN = 32
EDGE_DIM = 16
N_NODES = 10000
N_EDGES = 160000


def setup_inputs(seed: int = 0) -> dict:
    key = jax.random.key(seed)
    ks = jax.random.split(key, 12)
    x = jax.random.normal(ks[0], (N_NODES, HIDDEN), dtype=jnp.float32)
    edge_index = jax.random.randint(ks[1], (2, N_EDGES), 0, N_NODES, dtype=jnp.int32)
    edge_attr = jax.random.normal(ks[2], (N_EDGES, EDGE_DIM), dtype=jnp.float32)
    # edge_mlp params: Linear(edge_dim, hidden) -> GELU -> Linear(hidden, hidden*hidden)
    W1 = jax.random.normal(ks[3], (EDGE_DIM, HIDDEN), dtype=jnp.float32) / np.sqrt(EDGE_DIM)
    b1 = jnp.zeros((HIDDEN,), dtype=jnp.float32)
    W2 = jax.random.normal(ks[4], (HIDDEN, HIDDEN * HIDDEN), dtype=jnp.float32) / np.sqrt(HIDDEN)
    b2 = jnp.zeros((HIDDEN * HIDDEN,), dtype=jnp.float32)
    # NNConv root weight + bias
    root = jax.random.normal(ks[5], (HIDDEN, HIDDEN), dtype=jnp.float32) / np.sqrt(HIDDEN)
    bias = jnp.zeros((HIDDEN,), dtype=jnp.float32)
    # LayerNorm params
    gamma = jnp.ones((HIDDEN,), dtype=jnp.float32)
    beta = jnp.zeros((HIDDEN,), dtype=jnp.float32)
    return {"x": x, "edge_index": edge_index, "edge_attr": edge_attr,
            "W1": W1, "b1": b1, "W2": W2, "b2": b2,
            "root": root, "bias": bias, "gamma": gamma, "beta": beta}


def reference(x, edge_index, edge_attr, W1, b1, W2, b2, root, bias, gamma, beta):
    n_nodes, hidden = x.shape
    # edge MLP -> per-edge weight matrix [E, in, out]
    h_e = jax.nn.gelu(edge_attr @ W1 + b1, approximate=False)
    We = (h_e @ W2 + b2).reshape(-1, hidden, hidden)
    src = edge_index[0]
    dst = edge_index[1]
    # gather source node features, per-edge matmul (NNConv message)
    xj = x[src]  # [E, hidden]
    msg = jnp.einsum('ei,eio->eo', xj, We)  # [E, hidden]
    # scatter-add aggregation at destination nodes
    aggr = jnp.zeros((n_nodes, hidden), dtype=x.dtype).at[dst].add(msg)
    # root weight + bias (NNConv update)
    h = aggr + x @ root + bias
    # activation, dropout (eval mode -> identity), residual
    h = jax.nn.gelu(h, approximate=False)
    h = h + x
    # LayerNorm
    mu = jnp.mean(h, axis=-1, keepdims=True)
    var = jnp.var(h, axis=-1, keepdims=True)
    out = gamma * (h - mu) / jnp.sqrt(var + 1e-5) + beta
    return out

if __name__ == "__main__":
    import jax
    _d = setup_inputs()
    print(jax.jit(kernel)(*tuple(_d.values())))

</pallas_src>

<mosaic_0001>
#map = affine_map<(d0, d1) -> (0, 0)>
module attributes {stable_mosaic.version = 14 : i64} {
  func.func @_gather_body(%arg0: i32, %arg1: i32, %arg2: memref<10000x32xf32, #tpu.memory_space<hbm>>, %arg3: memref<2500x128xi32, #tpu.memory_space<hbm>>, %arg4: memref<160000x32xf32, #tpu.memory_space<hbm>>, %arg5: memref<128xi32, #tpu.memory_space<vmem>>, %arg6: memref<128xi32, #tpu.memory_space<vmem>>, %arg7: memref<128x32xf32, #tpu.memory_space<vmem>>, %arg8: memref<128x32xf32, #tpu.memory_space<vmem>>, %arg9: memref<!tpu.dma_semaphore, #tpu.memory_space<semaphore_mem>>, %arg10: memref<!tpu.dma_semaphore, #tpu.memory_space<semaphore_mem>>, %arg11: memref<!tpu.dma_semaphore, #tpu.memory_space<semaphore_mem>>, %arg12: memref<!tpu.dma_semaphore, #tpu.memory_space<semaphore_mem>>, %arg13: memref<!tpu.dma_semaphore, #tpu.memory_space<semaphore_mem>>, %arg14: memref<!tpu.dma_semaphore, #tpu.memory_space<semaphore_mem>>) attributes {dimension_semantics = [#tpu.dimension_semantics<core_parallel>, #tpu.dimension_semantics<subcore_parallel>], iteration_bounds = array<i64: 2, 16>, scalar_prefetch = 0 : i64, scratch_operands = 10 : i64, tpu.core_type = #tpu.core_type<sc_vector_subcore>, window_params = [{transform_indices = #map}, {transform_indices = #map}, {transform_indices = #map}]} {
    %mul3A = arith.constant 2 : i32
    %mul3A_0 = arith.muli %arg1, %mul3A : i32
    %add3A = arith.addi %mul3A_0, %arg0 : i32
    %add3A_1 = arith.constant 0 : i32
    %add3A_2 = arith.addi %add3A, %add3A_1 : i32
    %min3A = arith.constant 1249 : i32
    %min3A_3 = arith.minsi %add3A_2, %min3A : i32
    %add3A_4 = arith.constant 0 : i32
    %add3A_5 = arith.addi %min3A_3, %add3A_4 : i32
    %dma_start3A = arith.constant 0 : i32
    %dma_start3A_6 = tpu.memref_slice %arg3[%add3A_5, %dma_start3A] : memref<2500x128xi32, #tpu.memory_space<hbm>> -> memref<1x128xi32, #tpu.memory_space<hbm>>
    %dma_start3A_7 = tpu.memref_squeeze %dma_start3A_6 : memref<1x128xi32, #tpu.memory_space<hbm>> -> memref<128xi32, #tpu.memory_space<hbm>>
    %dma_start3A_8 = arith.constant 0 : i32
    %dma_start3A_9 = tpu.memref_slice %arg3[%add3A_5, %dma_start3A_8] : memref<2500x128xi32, #tpu.memory_space<hbm>> -> memref<1x128xi32, #tpu.memory_space<hbm>>
    %dma_start3A_10 = tpu.memref_squeeze %dma_start3A_9 : memref<1x128xi32, #tpu.memory_space<hbm>> -> memref<128xi32, #tpu.memory_space<hbm>>
    tpu.enqueue_dma source(%dma_start3A_10 : memref<128xi32, #tpu.memory_space<hbm>>) target(%arg5 : memref<128xi32, #tpu.memory_space<vmem>>) target_semaphore(%arg9 : memref<!tpu.dma_semaphore, #tpu.memory_space<semaphore_mem>>)
    %add3A_11 = arith.constant 32 : i32
    %add3A_12 = arith.addi %add3A, %add3A_11 : i32
    %min3A_13 = arith.constant 1249 : i32
    %min3A_14 = arith.minsi %add3A_12, %min3A_13 : i32
    %add3A_15 = arith.constant 0 : i32
    %add3A_16 = arith.addi %min3A_14, %add3A_15 : i32
    %dma_start3A_17 = arith.constant 0 : i32
    %dma_start3A_18 = tpu.memref_slice %arg3[%add3A_16, %dma_start3A_17] : memref<2500x128xi32, #tpu.memory_space<hbm>> -> memref<1x128xi32, #tpu.memory_space<hbm>>
    %dma_start3A_19 = tpu.memref_squeeze %dma_start3A_18 : memref<1x128xi32, #tpu.memory_space<hbm>> -> memref<128xi32, #tpu.memory_space<hbm>>
    %dma_start3A_20 = arith.constant 0 : i32
    %dma_start3A_21 = tpu.memref_slice %arg3[%add3A_16, %dma_start3A_20] : memref<2500x128xi32, #tpu.memory_space<hbm>> -> memref<1x128xi32, #tpu.memory_space<hbm>>
    %dma_start3A_22 = tpu.memref_squeeze %dma_start3A_21 : memref<1x128xi32, #tpu.memory_space<hbm>> -> memref<128xi32, #tpu.memory_space<hbm>>
    tpu.enqueue_dma source(%dma_start3A_22 : memref<128xi32, #tpu.memory_space<hbm>>) target(%arg6 : memref<128xi32, #tpu.memory_space<vmem>>) target_semaphore(%arg10 : memref<!tpu.dma_semaphore, #tpu.memory_space<semaphore_mem>>)
    %scan3A = arith.constant 0 : i32
    %scan3A_23 = arith.constant 0 : i32
    %scan3A_24 = arith.constant 19 : i32
    %scan3A_25 = arith.addi %scan3A_23, %scan3A_24 : i32
    %scan3A_26 = arith.constant 1 : i32
    scf.for %scan3A_61 = %scan3A_23 to %scan3A_25 step %scan3A_26  : i32 {
      %mul3A_62 = arith.constant 2 : i32
      %mul3A_63 = arith.muli %mul3A_62, %scan3A_61 : i32
      %dma_wait3A_64 = arith.constant 0 : i32
      %dma_wait3A_65 = arith.constant 0 : i32
      %dma_wait3A_66 = tpu.memref_slice %arg3[%dma_wait3A_64, %dma_wait3A_65] : memref<2500x128xi32, #tpu.memory_space<hbm>> -> memref<1x128xi32, #tpu.memory_space<hbm>>
      %dma_wait3A_67 = tpu.memref_squeeze %dma_wait3A_66 : memref<1x128xi32, #tpu.memory_space<hbm>> -> memref<128xi32, #tpu.memory_space<hbm>>
      %dma_wait3A_68 = arith.constant 0 : i32
      %dma_wait3A_69 = tpu.memref_slice %arg3[%dma_wait3A_64, %dma_wait3A_68] : memref<2500x128xi32, #tpu.memory_space<hbm>> -> memref<1x128xi32, #tpu.memory_space<hbm>>
      %dma_wait3A_70 = tpu.memref_squeeze %dma_wait3A_69 : memref<1x128xi32, #tpu.memory_space<hbm>> -> memref<128xi32, #tpu.memory_space<hbm>>
      tpu.wait_dma2 semaphore(%arg9 : memref<!tpu.dma_semaphore, #tpu.memory_space<semaphore_mem>>) src(%dma_wait3A_70 : memref<128xi32, #tpu.memory_space<hbm>>) dst(%arg5 : memref<128xi32, #tpu.memory_space<vmem>>)
      %dma_wait3A_71 = arith.constant 0 : i32
      %dma_wait3A_72 = arith.constant 0 : i32
      %dma_wait3A_73 = tpu.memref_slice %arg3[%dma_wait3A_71, %dma_wait3A_72] : memref<2500x128xi32, #tpu.memory_space<hbm>> -> memref<1x128xi32, #tpu.memory_space<hbm>>
      %dma_wait3A_74 = tpu.memref_squeeze %dma_wait3A_73 : memref<1x128xi32, #tpu.memory_space<hbm>> -> memref<128xi32, #tpu.memory_space<hbm>>
      %dma_wait3A_75 = arith.constant 0 : i32
      %dma_wait3A_76 = tpu.memref_slice %arg3[%dma_wait3A_71, %dma_wait3A_75] : memref<2500x128xi32, #tpu.memory_space<hbm>> -> memref<1x128xi32, #tpu.memory_space<hbm>>
      %dma_wait3A_77 = tpu.memref_squeeze %dma_wait3A_76 : memref<1x128xi32, #tpu.memory_space<hbm>> -> memref<128xi32, #tpu.memory_space<hbm>>
      tpu.wait_dma2 semaphore(%arg10 : memref<!tpu.dma_semaphore, #tpu.memory_space<semaphore_mem>>) src(%dma_wait3A_77 : memref<128xi32, #tpu.memory_space<hbm>>) dst(%arg6 : memref<128xi32, #tpu.memory_space<vmem>>)
      %dma_start3A_78 = arith.constant 0 : i32
      %dma_start3A_79 = arith.constant 0 : i32
      %dma_start3A_80 = tpu.memref_slice %arg2[%dma_start3A_78, %dma_start3A_79] : memref<10000x32xf32, #tpu.memory_space<hbm>> -> memref<10000x32xf32, #tpu.memory_space<hbm>>
      tpu.enqueue_indirect_dma source(%dma_start3A_80 : memref<10000x32xf32, #tpu.memory_space<hbm>>) target(%arg7 : memref<128x32xf32, #tpu.memory_space<vmem>>) offsets(%arg5 : memref<128xi32, #tpu.memory_space<vmem>>) semaphore(%arg11 : memref<!tpu.dma_semaphore, #tpu.memory_space<semaphore_mem>>)
      %dma_start3A_81 = arith.constant 0 : i32
      %dma_start3A_82 = arith.constant 0 : i32
      %dma_start3A_83 = tpu.memref_slice %arg2[%dma_start3A_81, %dma_start3A_82] : memref<10000x32xf32, #tpu.memory_space<hbm>> -> memref<10000x32xf32, #tpu.memory_space<hbm>>
      tpu.enqueue_indirect_dma source(%dma_start3A_83 : memref<10000x32xf32, #tpu.memory_space<hbm>>) target(%arg8 : memref<128x32xf32, #tpu.memory_space<vmem>>) offsets(%arg6 : memref<128xi32, #tpu.memory_space<vmem>>) semaphore(%arg12 : memref<!tpu.dma_semaphore, #tpu.memory_space<semaphore_mem>>)
      %dma_wait3A_84 = arith.constant 0 : i32
      %dma_wait3A_85 = arith.constant 0 : i32
      %dma_wait3A_86 = tpu.memref_slice %arg2[%dma_wait3A_84, %dma_wait3A_85] : memref<10000x32xf32, #tpu.memory_space<hbm>> -> memref<10000x32xf32, #tpu.memory_space<hbm>>
      tpu.wait_indirect_dma semaphore(%arg11 : memref<!tpu.dma_semaphore, #tpu.memory_space<semaphore_mem>>) src(%dma_wait3A_86 : memref<10000x32xf32, #tpu.memory_space<hbm>>) dst(%arg7 : memref<128x32xf32, #tpu.memory_space<vmem>>)
      %add3A_87 = arith.constant 2 : i32
      %add3A_88 = arith.addi %mul3A_63, %add3A_87 : i32
      %mul3A_89 = arith.constant 32 : i32
      %mul3A_90 = arith.muli %mul3A_89, %add3A_88 : i32
      %add3A_91 = arith.addi %add3A, %mul3A_90 : i32
      %min3A_92 = arith.constant 1249 : i32
      %min3A_93 = arith.minsi %add3A_91, %min3A_92 : i32
      %add3A_94 = arith.constant 0 : i32
      %add3A_95 = arith.addi %min3A_93, %add3A_94 : i32
      %dma_start3A_96 = arith.constant 0 : i32
      %dma_start3A_97 = tpu.memref_slice %arg3[%add3A_95, %dma_start3A_96] : memref<2500x128xi32, #tpu.memory_space<hbm>> -> memref<1x128xi32, #tpu.memory_space<hbm>>
      %dma_start3A_98 = tpu.memref_squeeze %dma_start3A_97 : memref<1x128xi32, #tpu.memory_space<hbm>> -> memref<128xi32, #tpu.memory_space<hbm>>
      %dma_start3A_99 = arith.constant 0 : i32
      %dma_start3A_100 = tpu.memref_slice %arg3[%add3A_95, %dma_start3A_99] : memref<2500x128xi32, #tpu.memory_space<hbm>> -> memref<1x128xi32, #tpu.memory_space<hbm>>
      %dma_start3A_101 = tpu.memref_squeeze %dma_start3A_100 : memref<1x128xi32, #tpu.memory_space<hbm>> -> memref<128xi32, #tpu.memory_space<hbm>>
      tpu.enqueue_dma source(%dma_start3A_101 : memref<128xi32, #tpu.memory_space<hbm>>) target(%arg5 : memref<128xi32, #tpu.memory_space<vmem>>) target_semaphore(%arg9 : memref<!tpu.dma_semaphore, #tpu.memory_space<semaphore_mem>>)
      %mul3A_102 = arith.constant 32 : i32
      %mul3A_103 = arith.muli %mul3A_102, %mul3A_63 : i32
      %add3A_104 = arith.addi %add3A, %mul3A_103 : i32
      %mul3A_105 = arith.constant 128 : i32
      %mul3A_106 = arith.muli %add3A_104, %mul3A_105 : i32
      %dma_start3A_107 = arith.constant 0 : i32
      %dma_start3A_108 = tpu.memref_slice %arg4[%mul3A_106, %dma_start3A_107] : memref<160000x32xf32, #tpu.memory_space<hbm>> -> memref<128x32xf32, #tpu.memory_space<hbm>>
      %dma_start3A_109 = arith.constant 0 : i32
      %dma_start3A_110 = tpu.memref_slice %arg4[%mul3A_106, %dma_start3A_109] : memref<160000x32xf32, #tpu.memory_space<hbm>> -> memref<128x32xf32, #tpu.memory_space<hbm>>
      tpu.enqueue_dma source(%arg7 : memref<128x32xf32, #tpu.memory_space<vmem>>) target(%dma_start3A_110 : memref<128x32xf32, #tpu.memory_space<hbm>>) target_semaphore(%arg13 : memref<!tpu.dma_semaphore, #tpu.memory_space<semaphore_mem>>)
      %dma_wait3A_111 = arith.constant 0 : i32
      %dma_wait3A_112 = arith.constant 0 : i32
      %dma_wait3A_113 = tpu.memref_slice %arg2[%dma_wait3A_111, %dma_wait3A_112] : memref<10000x32xf32, #tpu.memory_space<hbm>> -> memref<10000x32xf32, #tpu.memory_space<hbm>>
      tpu.wait_indirect_dma semaphore(%arg12 : memref<!tpu.dma_semaphore, #tpu.memory_space<semaphore_mem>>) src(%dma_wait3A_113 : memref<10000x32xf32, #tpu.memory_space<hbm>>) dst(%arg8 : memref<128x32xf32, #tpu.memory_space<vmem>>)
      %add3A_114 = arith.constant 3 : i32
      %add3A_115 = arith.addi %mul3A_63, %add3A_114 : i32
      %mul3A_116 = arith.constant 32 : i32
      %mul3A_117 = arith.muli %mul3A_116, %add3A_115 : i32
      %add3A_118 = arith.addi %add3A, %mul3A_117 : i32
      %min3A_119 = arith.constant 1249 : i32
      %min3A_120 = arith.minsi %add3A_118, %min3A_119 : i32
      %add3A_121 = arith.constant 0 : i32
      %add3A_122 = arith.addi %min3A_120, %add3A_121 : i32
      %dma_start3A_123 = arith.constant 0 : i32
      %dma_start3A_124 = tpu.memref_slice %arg3[%add3A_122, %dma_start3A_123] : memref<2500x128xi32, #tpu.memory_space<hbm>> -> memref<1x128xi32, #tpu.memory_space<hbm>>
      %dma_start3A_125 = tpu.memref_squeeze %dma_start3A_124 : memref<1x128xi32, #tpu.memory_space<hbm>> -> memref<128xi32, #tpu.memory_space<hbm>>
      %dma_start3A_126 = arith.constant 0 : i32
      %dma_start3A_127 = tpu.memref_slice %arg3[%add3A_122, %dma_start3A_126] : memref<2500x128xi32, #tpu.memory_space<hbm>> -> memref<1x128xi32, #tpu.memory_space<hbm>>
      %dma_start3A_128 = tpu.memref_squeeze %dma_start3A_127 : memref<1x128xi32, #tpu.memory_space<hbm>> -> memref<128xi32, #tpu.memory_space<hbm>>
      tpu.enqueue_dma source(%dma_start3A_128 : memref<128xi32, #tpu.memory_space<hbm>>) target(%arg6 : memref<128xi32, #tpu.memory_space<vmem>>) target_semaphore(%arg10 : memref<!tpu.dma_semaphore, #tpu.memory_space<semaphore_mem>>)
      %add3A_129 = arith.constant 1 : i32
      %add3A_130 = arith.addi %mul3A_63, %add3A_129 : i32
      %mul3A_131 = arith.constant 32 : i32
      %mul3A_132 = arith.muli %mul3A_131, %add3A_130 : i32
      %add3A_133 = arith.addi %add3A, %mul3A_132 : i32
      %mul3A_134 = arith.constant 128 : i32
      %mul3A_135 = arith.muli %add3A_133, %mul3A_134 : i32
      %dma_start3A_136 = arith.constant 0 : i32
      %dma_start3A_137 = tpu.memref_slice %arg4[%mul3A_135, %dma_start3A_136] : memref<160000x32xf32, #tpu.memory_space<hbm>> -> memref<128x32xf32, #tpu.memory_space<hbm>>
      %dma_start3A_138 = arith.constant 0 : i32
      %dma_start3A_139 = tpu.memref_slice %arg4[%mul3A_135, %dma_start3A_138] : memref<160000x32xf32, #tpu.memory_space<hbm>> -> memref<128x32xf32, #tpu.memory_space<hbm>>
      tpu.enqueue_dma source(%arg8 : memref<128x32xf32, #tpu.memory_space<vmem>>) target(%dma_start3A_139 : memref<128x32xf32, #tpu.memory_space<hbm>>) target_semaphore(%arg14 : memref<!tpu.dma_semaphore, #tpu.memory_space<semaphore_mem>>)
      %dma_wait3A_140 = arith.constant 0 : i32
      %dma_wait3A_141 = tpu.memref_slice %arg4[%mul3A_106, %dma_wait3A_140] : memref<160000x32xf32, #tpu.memory_space<hbm>> -> memref<128x32xf32, #tpu.memory_space<hbm>>
      %dma_wait3A_142 = arith.constant 0 : i32
      %dma_wait3A_143 = tpu.memref_slice %arg4[%mul3A_106, %dma_wait3A_142] : memref<160000x32xf32, #tpu.memory_space<hbm>> -> memref<128x32xf32, #tpu.memory_space<hbm>>
      tpu.wait_dma2 semaphore(%arg13 : memref<!tpu.dma_semaphore, #tpu.memory_space<semaphore_mem>>) src(%arg7 : memref<128x32xf32, #tpu.memory_space<vmem>>) dst(%dma_wait3A_143 : memref<128x32xf32, #tpu.memory_space<hbm>>)
      %dma_wait3A_144 = arith.constant 0 : i32
      %dma_wait3A_145 = tpu.memref_slice %arg4[%mul3A_135, %dma_wait3A_144] : memref<160000x32xf32, #tpu.memory_space<hbm>> -> memref<128x32xf32, #tpu.memory_space<hbm>>
      %dma_wait3A_146 = arith.constant 0 : i32
      %dma_wait3A_147 = tpu.memref_slice %arg4[%mul3A_135, %dma_wait3A_146] : memref<160000x32xf32, #tpu.memory_space<hbm>> -> memref<128x32xf32, #tpu.memory_space<hbm>>
      tpu.wait_dma2 semaphore(%arg14 : memref<!tpu.dma_semaphore, #tpu.memory_space<semaphore_mem>>) src(%arg8 : memref<128x32xf32, #tpu.memory_space<vmem>>) dst(%dma_wait3A_147 : memref<128x32xf32, #tpu.memory_space<hbm>>)
    }
    %scan3A_27 = arith.constant 19 : i32
    %dma_wait3A = arith.constant 0 : i32
    %dma_wait3A_28 = arith.constant 0 : i32
    %dma_wait3A_29 = tpu.memref_slice %arg3[%dma_wait3A, %dma_wait3A_28] : memref<2500x128xi32, #tpu.memory_space<hbm>> -> memref<1x128xi32, #tpu.memory_space<hbm>>
    %dma_wait3A_30 = tpu.memref_squeeze %dma_wait3A_29 : memref<1x128xi32, #tpu.memory_space<hbm>> -> memref<128xi32, #tpu.memory_space<hbm>>
    %dma_wait3A_31 = arith.constant 0 : i32
    %dma_wait3A_32 = tpu.memref_slice %arg3[%dma_wait3A, %dma_wait3A_31] : memref<2500x128xi32, #tpu.memory_space<hbm>> -> memref<1x128xi32, #tpu.memory_space<hbm>>
    %dma_wait3A_33 = tpu.memref_squeeze %dma_wait3A_32 : memref<1x128xi32, #tpu.memory_space<hbm>> -> memref<128xi32, #tpu.memory_space<hbm>>
    tpu.wait_dma2 semaphore(%arg9 : memref<!tpu.dma_semaphore, #tpu.memory_space<semaphore_mem>>) src(%dma_wait3A_33 : memref<128xi32, #tpu.memory_space<hbm>>) dst(%arg5 : memref<128xi32, #tpu.memory_space<vmem>>)
    %dma_start3A_34 = arith.constant 0 : i32
    %dma_start3A_35 = arith.constant 0 : i32
    %dma_start3A_36 = tpu.memref_slice %arg2[%dma_start3A_34, %dma_start3A_35] : memref<10000x32xf32, #tpu.memory_space<hbm>> -> memref<10000x32xf32, #tpu.memory_space<hbm>>
    tpu.enqueue_indirect_dma source(%dma_start3A_36 : memref<10000x32xf32, #tpu.memory_space<hbm>>) target(%arg7 : memref<128x32xf32, #tpu.memory_space<vmem>>) offsets(%arg5 : memref<128xi32, #tpu.memory_space<vmem>>) semaphore(%arg11 : memref<!tpu.dma_semaphore, #tpu.memory_space<semaphore_mem>>)
    %dma_wait3A_37 = arith.constant 0 : i32
    %dma_wait3A_38 = arith.constant 0 : i32
    %dma_wait3A_39 = tpu.memref_slice %arg2[%dma_wait3A_37, %dma_wait3A_38] : memref<10000x32xf32, #tpu.memory_space<hbm>> -> memref<10000x32xf32, #tpu.memory_space<hbm>>
    tpu.wait_indirect_dma semaphore(%arg11 : memref<!tpu.dma_semaphore, #tpu.memory_space<semaphore_mem>>) src(%dma_wait3A_39 : memref<10000x32xf32, #tpu.memory_space<hbm>>) dst(%arg7 : memref<128x32xf32, #tpu.memory_space<vmem>>)
    %add3A_40 = arith.constant 1216 : i32
    %add3A_41 = arith.addi %add3A, %add3A_40 : i32
    %mul3A_42 = arith.constant 128 : i32
    %mul3A_43 = arith.muli %add3A_41, %mul3A_42 : i32
    %dma_start3A_44 = arith.constant 0 : i32
    %dma_start3A_45 = tpu.memref_slice %arg4[%mul3A_43, %dma_start3A_44] : memref<160000x32xf32, #tpu.memory_space<hbm>> -> memref<128x32xf32, #tpu.memory_space<hbm>>
    %dma_start3A_46 = arith.constant 0 : i32
    %dma_start3A_47 = tpu.memref_slice %arg4[%mul3A_43, %dma_start3A_46] : memref<160000x32xf32, #tpu.memory_space<hbm>> -> memref<128x32xf32, #tpu.memory_space<hbm>>
    tpu.enqueue_dma source(%arg7 : memref<128x32xf32, #tpu.memory_space<vmem>>) target(%dma_start3A_47 : memref<128x32xf32, #tpu.memory_space<hbm>>) target_semaphore(%arg13 : memref<!tpu.dma_semaphore, #tpu.memory_space<semaphore_mem>>)
    %dma_wait3A_48 = arith.constant 0 : i32
    %dma_wait3A_49 = arith.constant 0 : i32
    %dma_wait3A_50 = tpu.memref_slice %arg3[%dma_wait3A_48, %dma_wait3A_49] : memref<2500x128xi32, #tpu.memory_space<hbm>> -> memref<1x128xi32, #tpu.memory_space<hbm>>
    %dma_wait3A_51 = tpu.memref_squeeze %dma_wait3A_50 : memref<1x128xi32, #tpu.memory_space<hbm>> -> memref<128xi32, #tpu.memory_space<hbm>>
    %dma_wait3A_52 = arith.constant 0 : i32
    %dma_wait3A_53 = tpu.memref_slice %arg3[%dma_wait3A_48, %dma_wait3A_52] : memref<2500x128xi32, #tpu.memory_space<hbm>> -> memref<1x128xi32, #tpu.memory_space<hbm>>
    %dma_wait3A_54 = tpu.memref_squeeze %dma_wait3A_53 : memref<1x128xi32, #tpu.memory_space<hbm>> -> memref<128xi32, #tpu.memory_space<hbm>>
    tpu.wait_dma2 semaphore(%arg10 : memref<!tpu.dma_semaphore, #tpu.memory_space<semaphore_mem>>) src(%dma_wait3A_54 : memref<128xi32, #tpu.memory_space<hbm>>) dst(%arg6 : memref<128xi32, #tpu.memory_space<vmem>>)
    %lt3A = arith.constant 2 : i32
    %lt3A_55 = arith.cmpi slt, %add3A, %lt3A : i32
    %convert_element_type3A = arith.extui %lt3A_55 : i1 to i32
    %cond3A = arith.constant 0 : i32
    %cond3A_56 = arith.cmpi ne, %convert_element_type3A, %cond3A : i32
    scf.if %cond3A_56 {
      %dma_start3A_61 = arith.constant 0 : i32
      %dma_start3A_62 = arith.constant 0 : i32
      %dma_start3A_63 = tpu.memref_slice %arg2[%dma_start3A_61, %dma_start3A_62] : memref<10000x32xf32, #tpu.memory_space<hbm>> -> memref<10000x32xf32, #tpu.memory_space<hbm>>
      tpu.enqueue_indirect_dma source(%dma_start3A_63 : memref<10000x32xf32, #tpu.memory_space<hbm>>) target(%arg8 : memref<128x32xf32, #tpu.memory_space<vmem>>) offsets(%arg6 : memref<128xi32, #tpu.memory_space<vmem>>) semaphore(%arg12 : memref<!tpu.dma_semaphore, #tpu.memory_space<semaphore_mem>>)
      %dma_wait3A_64 = arith.constant 0 : i32
      %dma_wait3A_65 = arith.constant 0 : i32
      %dma_wait3A_66 = tpu.memref_slice %arg2[%dma_wait3A_64, %dma_wait3A_65] : memref<10000x32xf32, #tpu.memory_space<hbm>> -> memref<10000x32xf32, #tpu.memory_space<hbm>>
      tpu.wait_indirect_dma semaphore(%arg12 : memref<!tpu.dma_semaphore, #tpu.memory_space<semaphore_mem>>) src(%dma_wait3A_66 : memref<10000x32xf32, #tpu.memory_space<hbm>>) dst(%arg8 : memref<128x32xf32, #tpu.memory_space<vmem>>)
      %add3A_67 = arith.constant 1248 : i32
      %add3A_68 = arith.addi %add3A, %add3A_67 : i32
      %mul3A_69 = arith.constant 128 : i32
      %mul3A_70 = arith.muli %add3A_68, %mul3A_69 : i32
      %dma_start3A_71 = arith.constant 0 : i32
      %dma_start3A_72 = tpu.memref_slice %arg4[%mul3A_70, %dma_start3A_71] : memref<160000x32xf32, #tpu.memory_space<hbm>> -> memref<128x32xf32, #tpu.memory_space<hbm>>
      %dma_start3A_73 = arith.constant 0 : i32
      %dma_start3A_74 = tpu.memref_slice %arg4[%mul3A_70, %dma_start3A_73] : memref<160000x32xf32, #tpu.memory_space<hbm>> -> memref<128x32xf32, #tpu.memory_space<hbm>>
      tpu.enqueue_dma source(%arg8 : memref<128x32xf32, #tpu.memory_space<vmem>>) target(%dma_start3A_74 : memref<128x32xf32, #tpu.memory_space<hbm>>) target_semaphore(%arg14 : memref<!tpu.dma_semaphore, #tpu.memory_space<semaphore_mem>>)
      %dma_wait3A_75 = arith.constant 0 : i32
      %dma_wait3A_76 = tpu.memref_slice %arg4[%mul3A_70, %dma_wait3A_75] : memref<160000x32xf32, #tpu.memory_space<hbm>> -> memref<128x32xf32, #tpu.memory_space<hbm>>
      %dma_wait3A_77 = arith.constant 0 : i32
      %dma_wait3A_78 = tpu.memref_slice %arg4[%mul3A_70, %dma_wait3A_77] : memref<160000x32xf32, #tpu.memory_space<hbm>> -> memref<128x32xf32, #tpu.memory_space<hbm>>
      tpu.wait_dma2 semaphore(%arg14 : memref<!tpu.dma_semaphore, #tpu.memory_space<semaphore_mem>>) src(%arg8 : memref<128x32xf32, #tpu.memory_space<vmem>>) dst(%dma_wait3A_78 : memref<128x32xf32, #tpu.memory_space<hbm>>)
    } else {
    }
    %dma_wait3A_57 = arith.constant 0 : i32
    %dma_wait3A_58 = tpu.memref_slice %arg4[%mul3A_43, %dma_wait3A_57] : memref<160000x32xf32, #tpu.memory_space<hbm>> -> memref<128x32xf32, #tpu.memory_space<hbm>>
    %dma_wait3A_59 = arith.constant 0 : i32
    %dma_wait3A_60 = tpu.memref_slice %arg4[%mul3A_43, %dma_wait3A_59] : memref<160000x32xf32, #tpu.memory_space<hbm>> -> memref<128x32xf32, #tpu.memory_space<hbm>>
    tpu.wait_dma2 semaphore(%arg13 : memref<!tpu.dma_semaphore, #tpu.memory_space<semaphore_mem>>) src(%arg7 : memref<128x32xf32, #tpu.memory_space<vmem>>) dst(%dma_wait3A_60 : memref<128x32xf32, #tpu.memory_space<hbm>>)
    return
  }
}

#map = affine_map<(d0, d1) -> (0, 0)>
module attributes {stable_mosaic.version = 14 : i64} {
  func.func @_scatter_body(%arg0: i32, %arg1: i32, %arg2: memref<160000x32xf32, #tpu.memory_space<hbm>>, %arg3: memref<2500x128xi32, #tpu.memory_space<hbm>>, %arg4: memref<10000x32xf32, #tpu.memory_space<hbm>>, %arg5: memref<20000x32xf32, #tpu.memory_space<hbm>>, %arg6: memref<128xi32, #tpu.memory_space<vmem>>, %arg7: memref<128xi32, #tpu.memory_space<vmem>>, %arg8: memref<128x32xf32, #tpu.memory_space<vmem>>, %arg9: memref<128x32xf32, #tpu.memory_space<vmem>>, %arg10: memref<10000x32xf32, #tpu.memory_space<vmem_shared>>, %arg11: memref<!tpu.dma_semaphore, #tpu.memory_space<semaphore_mem>>, %arg12: memref<!tpu.dma_semaphore, #tpu.memory_space<semaphore_mem>>, %arg13: memref<!tpu.dma_semaphore, #tpu.memory_space<semaphore_mem>>, %arg14: memref<!tpu.dma_semaphore, #tpu.memory_space<semaphore_mem>>) attributes {dimension_semantics = [#tpu.dimension_semantics<core_parallel>, #tpu.dimension_semantics<subcore_parallel>], iteration_bounds = array<i64: 2, 16>, scalar_prefetch = 0 : i64, scratch_operands = 9 : i64, tpu.core_type = #tpu.core_type<sc_vector_subcore>, window_params = [{transform_indices = #map}, {transform_indices = #map}, {transform_indices = #map}, {transform_indices = #map}]} {
    %mul3A = arith.constant 2 : i32
    %mul3A_0 = arith.muli %arg1, %mul3A : i32
    %add3A = arith.addi %mul3A_0, %arg0 : i32
    %mul3A_1 = arith.constant 625 : i32
    %mul3A_2 = arith.muli %arg1, %mul3A_1 : i32
    %mul3A_3 = arith.constant 625 : i32
    %mul3A_4 = arith.muli %arg1, %mul3A_3 : i32
    "tpu.region"() ({
      %run_scoped3A = tpu.sem_alloc : memref<!tpu.dma_semaphore, #tpu.memory_space<semaphore_mem>>
      %dma_start3A_79 = arith.constant 0 : i32
      %dma_start3A_80 = tpu.memref_slice %arg10[%mul3A_4, %dma_start3A_79] : memref<10000x32xf32, #tpu.memory_space<vmem_shared>> -> memref<625x32xf32, #tpu.memory_space<vmem_shared>>
      %dma_start3A_81 = arith.constant 0 : i32
      %dma_start3A_82 = tpu.memref_slice %arg4[%mul3A_2, %dma_start3A_81] : memref<10000x32xf32, #tpu.memory_space<hbm>> -> memref<625x32xf32, #tpu.memory_space<hbm>>
      tpu.enqueue_dma source(%dma_start3A_82 : memref<625x32xf32, #tpu.memory_space<hbm>>) target(%dma_start3A_80 : memref<625x32xf32, #tpu.memory_space<vmem_shared>>) target_semaphore(%run_scoped3A : memref<!tpu.dma_semaphore, #tpu.memory_space<semaphore_mem>>)
      %dma_wait3A_83 = arith.constant 0 : i32
      %dma_wait3A_84 = tpu.memref_slice %arg10[%mul3A_4, %dma_wait3A_83] : memref<10000x32xf32, #tpu.memory_space<vmem_shared>> -> memref<625x32xf32, #tpu.memory_space<vmem_shared>>
      %dma_wait3A_85 = arith.constant 0 : i32
      %dma_wait3A_86 = tpu.memref_slice %arg4[%mul3A_2, %dma_wait3A_85] : memref<10000x32xf32, #tpu.memory_space<hbm>> -> memref<625x32xf32, #tpu.memory_space<hbm>>
      tpu.wait_dma2 semaphore(%run_scoped3A : memref<!tpu.dma_semaphore, #tpu.memory_space<semaphore_mem>>) src(%dma_wait3A_86 : memref<625x32xf32, #tpu.memory_space<hbm>>) dst(%dma_wait3A_84 : memref<625x32xf32, #tpu.memory_space<vmem_shared>>)
      tpu.yield
    }) : () -> ()
    %barrier3A = arith.constant 0 : index
    tpu.barrier barrier_id(%barrier3A)
    %add3A_5 = arith.constant 0 : i32
    %add3A_6 = arith.addi %add3A, %add3A_5 : i32
    %min3A = arith.constant 1249 : i32
    %min3A_7 = arith.minsi %add3A_6, %min3A : i32
    %add3A_8 = arith.constant 1250 : i32
    %add3A_9 = arith.addi %min3A_7, %add3A_8 : i32
    %dma_start3A = arith.constant 0 : i32
    %dma_start3A_10 = tpu.memref_slice %arg3[%add3A_9, %dma_start3A] : memref<2500x128xi32, #tpu.memory_space<hbm>> -> memref<1x128xi32, #tpu.memory_space<hbm>>
    %dma_start3A_11 = tpu.memref_squeeze %dma_start3A_10 : memref<1x128xi32, #tpu.memory_space<hbm>> -> memref<128xi32, #tpu.memory_space<hbm>>
    %dma_start3A_12 = arith.constant 0 : i32
    %dma_start3A_13 = tpu.memref_slice %arg3[%add3A_9, %dma_start3A_12] : memref<2500x128xi32, #tpu.memory_space<hbm>> -> memref<1x128xi32, #tpu.memory_space<hbm>>
    %dma_start3A_14 = tpu.memref_squeeze %dma_start3A_13 : memref<1x128xi32, #tpu.memory_space<hbm>> -> memref<128xi32, #tpu.memory_space<hbm>>
    tpu.enqueue_dma source(%dma_start3A_14 : memref<128xi32, #tpu.memory_space<hbm>>) target(%arg6 : memref<128xi32, #tpu.memory_space<vmem>>) target_semaphore(%arg11 : memref<!tpu.dma_semaphore, #tpu.memory_space<semaphore_mem>>)
    %mul3A_15 = arith.constant 128 : i32
    %mul3A_16 = arith.muli %min3A_7, %mul3A_15 : i32
    %dma_start3A_17 = arith.constant 0 : i32
    %dma_start3A_18 = tpu.memref_slice %arg2[%mul3A_16, %dma_start3A_17] : memref<160000x32xf32, #tpu.memory_space<hbm>> -> memref<128x32xf32, #tpu.memory_space<hbm>>
    %dma_start3A_19 = arith.constant 0 : i32
    %dma_start3A_20 = tpu.memref_slice %arg2[%mul3A_16, %dma_start3A_19] : memref<160000x32xf32, #tpu.memory_space<hbm>> -> memref<128x32xf32, #tpu.memory_space<hbm>>
    tpu.enqueue_dma source(%dma_start3A_20 : memref<128x32xf32, #tpu.memory_space<hbm>>) target(%arg8 : memref<128x32xf32, #tpu.memory_space<vmem>>) target_semaphore(%arg13 : memref<!tpu.dma_semaphore, #tpu.memory_space<semaphore_mem>>)
    %add3A_21 = arith.constant 32 : i32
    %add3A_22 = arith.addi %add3A, %add3A_21 : i32
    %min3A_23 = arith.constant 1249 : i32
    %min3A_24 = arith.minsi %add3A_22, %min3A_23 : i32
    %add3A_25 = arith.constant 1250 : i32
    %add3A_26 = arith.addi %min3A_24, %add3A_25 : i32
    %dma_start3A_27 = arith.constant 0 : i32
    %dma_start3A_28 = tpu.memref_slice %arg3[%add3A_26, %dma_start3A_27] : memref<2500x128xi32, #tpu.memory_space<hbm>> -> memref<1x128xi32, #tpu.memory_space<hbm>>
    %dma_start3A_29 = tpu.memref_squeeze %dma_start3A_28 : memref<1x128xi32, #tpu.memory_space<hbm>> -> memref<128xi32, #tpu.memory_space<hbm>>
    %dma_start3A_30 = arith.constant 0 : i32
    %dma_start3A_31 = tpu.memref_slice %arg3[%add3A_26, %dma_start3A_30] : memref<2500x128xi32, #tpu.memory_space<hbm>> -> memref<1x128xi32, #tpu.memory_space<hbm>>
    %dma_start3A_32 = tpu.memref_squeeze %dma_start3A_31 : memref<1x128xi32, #tpu.memory_space<hbm>> -> memref<128xi32, #tpu.memory_space<hbm>>
    tpu.enqueue_dma source(%dma_start3A_32 : memref<128xi32, #tpu.memory_space<hbm>>) target(%arg7 : memref<128xi32, #tpu.memory_space<vmem>>) target_semaphore(%arg12 : memref<!tpu.dma_semaphore, #tpu.memory_space<semaphore_mem>>)
    %mul3A_33 = arith.constant 128 : i32
    %mul3A_34 = arith.muli %min3A_24, %mul3A_33 : i32
    %dma_start3A_35 = arith.constant 0 : i32
    %dma_start3A_36 = tpu.memref_slice %arg2[%mul3A_34, %dma_start3A_35] : memref<160000x32xf32, #tpu.memory_space<hbm>> -> memref<128x32xf32, #tpu.memory_space<hbm>>
    %dma_start3A_37 = arith.constant 0 : i32
    %dma_start3A_38 = tpu.memref_slice %arg2[%mul3A_34, %dma_start3A_37] : memref<160000x32xf32, #tpu.memory_space<hbm>> -> memref<128x32xf32, #tpu.memory_space<hbm>>
    tpu.enqueue_dma source(%dma_start3A_38 : memref<128x32xf32, #tpu.memory_space<hbm>>) target(%arg9 : memref<128x32xf32, #tpu.memory_space<vmem>>) target_semaphore(%arg14 : memref<!tpu.dma_semaphore, #tpu.memory_space<semaphore_mem>>)
    %scan3A = arith.constant 0 : i32
    %scan3A_39 = arith.constant 0 : i32
    %scan3A_40 = arith.constant 19 : i32
    %scan3A_41 = arith.addi %scan3A_39, %scan3A_40 : i32
    %scan3A_42 = arith.constant 1 : i32
    scf.for %scan3A_79 = %scan3A_39 to %scan3A_41 step %scan3A_42  : i32 {
      %mul3A_80 = arith.constant 2 : i32
      %mul3A_81 = arith.muli %mul3A_80, %scan3A_79 : i32
      %dma_wait3A_82 = arith.constant 0 : i32
      %dma_wait3A_83 = arith.constant 0 : i32
      %dma_wait3A_84 = tpu.memref_slice %arg3[%dma_wait3A_82, %dma_wait3A_83] : memref<2500x128xi32, #tpu.memory_space<hbm>> -> memref<1x128xi32, #tpu.memory_space<hbm>>
      %dma_wait3A_85 = tpu.memref_squeeze %dma_wait3A_84 : memref<1x128xi32, #tpu.memory_space<hbm>> -> memref<128xi32, #tpu.memory_space<hbm>>
      %dma_wait3A_86 = arith.constant 0 : i32
      %dma_wait3A_87 = tpu.memref_slice %arg3[%dma_wait3A_82, %dma_wait3A_86] : memref<2500x128xi32, #tpu.memory_space<hbm>> -> memref<1x128xi32, #tpu.memory_space<hbm>>
      %dma_wait3A_88 = tpu.memref_squeeze %dma_wait3A_87 : memref<1x128xi32, #tpu.memory_space<hbm>> -> memref<128xi32, #tpu.memory_space<hbm>>
      tpu.wait_dma2 semaphore(%arg11 : memref<!tpu.dma_semaphore, #tpu.memory_space<semaphore_mem>>) src(%dma_wait3A_88 : memref<128xi32, #tpu.memory_space<hbm>>) dst(%arg6 : memref<128xi32, #tpu.memory_space<vmem>>)
      %dma_wait3A_89 = arith.constant 0 : i32
      %dma_wait3A_90 = arith.constant 0 : i32
      %dma_wait3A_91 = tpu.memref_slice %arg2[%dma_wait3A_89, %dma_wait3A_90] : memref<160000x32xf32, #tpu.memory_space<hbm>> -> memref<128x32xf32, #tpu.memory_space<hbm>>
      %dma_wait3A_92 = arith.constant 0 : i32
      %dma_wait3A_93 = arith.constant 0 : i32
      %dma_wait3A_94 = tpu.memref_slice %arg2[%dma_wait3A_92, %dma_wait3A_93] : memref<160000x32xf32, #tpu.memory_space<hbm>> -> memref<128x32xf32, #tpu.memory_space<hbm>>
      tpu.wait_dma2 semaphore(%arg13 : memref<!tpu.dma_semaphore, #tpu.memory_space<semaphore_mem>>) src(%dma_wait3A_94 : memref<128x32xf32, #tpu.memory_space<hbm>>) dst(%arg8 : memref<128x32xf32, #tpu.memory_space<vmem>>)
      "tpu.region"() ({
        %run_scoped3A = tpu.sem_alloc : memref<!tpu.dma_semaphore, #tpu.memory_space<semaphore_mem>>
        %dma_start3A_150 = arith.constant 0 : i32
        %dma_start3A_151 = arith.constant 0 : i32
        %dma_start3A_152 = tpu.memref_slice %arg10[%dma_start3A_150, %dma_start3A_151] : memref<10000x32xf32, #tpu.memory_space<vmem_shared>> -> memref<10000x32xf32, #tpu.memory_space<vmem_shared>>
        tpu.enqueue_indirect_dma source(%arg8 : memref<128x32xf32, #tpu.memory_space<vmem>>) target(%dma_start3A_152 : memref<10000x32xf32, #tpu.memory_space<vmem_shared>>) offsets(%arg6 : memref<128xi32, #tpu.memory_space<vmem>>) semaphore(%run_scoped3A : memref<!tpu.dma_semaphore, #tpu.memory_space<semaphore_mem>>) {add = true}
        %dma_wait3A_153 = arith.constant 0 : i32
        %dma_wait3A_154 = arith.constant 0 : i32
        %dma_wait3A_155 = tpu.memref_slice %arg10[%dma_wait3A_153, %dma_wait3A_154] : memref<10000x32xf32, #tpu.memory_space<vmem_shared>> -> memref<10000x32xf32, #tpu.memory_space<vmem_shared>>
        tpu.wait_indirect_dma semaphore(%run_scoped3A : memref<!tpu.dma_semaphore, #tpu.memory_space<semaphore_mem>>) src(%arg8 : memref<128x32xf32, #tpu.memory_space<vmem>>) dst(%dma_wait3A_155 : memref<10000x32xf32, #tpu.memory_space<vmem_shared>>)
        tpu.yield
      }) : () -> ()
      %add3A_95 = arith.constant 2 : i32
      %add3A_96 = arith.addi %mul3A_81, %add3A_95 : i32
      %mul3A_97 = arith.constant 32 : i32
      %mul3A_98 = arith.muli %mul3A_97, %add3A_96 : i32
      %add3A_99 = arith.addi %add3A, %mul3A_98 : i32
      %min3A_100 = arith.constant 1249 : i32
      %min3A_101 = arith.minsi %add3A_99, %min3A_100 : i32
      %add3A_102 = arith.constant 1250 : i32
      %add3A_103 = arith.addi %min3A_101, %add3A_102 : i32
      %dma_start3A_104 = arith.constant 0 : i32
      %dma_start3A_105 = tpu.memref_slice %arg3[%add3A_103, %dma_start3A_104] : memref<2500x128xi32, #tpu.memory_space<hbm>> -> memref<1x128xi32, #tpu.memory_space<hbm>>
      %dma_start3A_106 = tpu.memref_squeeze %dma_start3A_105 : memref<1x128xi32, #tpu.memory_space<hbm>> -> memref<128xi32, #tpu.memory_space<hbm>>
      %dma_start3A_107 = arith.constant 0 : i32
      %dma_start3A_108 = tpu.memref_slice %arg3[%add3A_103, %dma_start3A_107] : memref<2500x128xi32, #tpu.memory_space<hbm>> -> memref<1x128xi32, #tpu.memory_space<hbm>>
      %dma_start3A_109 = tpu.memref_squeeze %dma_start3A_108 : memref<1x128xi32, #tpu.memory_space<hbm>> -> memref<128xi32, #tpu.memory_space<hbm>>
      tpu.enqueue_dma source(%dma_start3A_109 : memref<128xi32, #tpu.memory_space<hbm>>) target(%arg6 : memref<128xi32, #tpu.memory_space<vmem>>) target_semaphore(%arg11 : memref<!tpu.dma_semaphore, #tpu.memory_space<semaphore_mem>>)
      %mul3A_110 = arith.constant 128 : i32
      %mul3A_111 = arith.muli %min3A_101, %mul3A_110 : i32
      %dma_start3A_112 = arith.constant 0 : i32
      %dma_start3A_113 = tpu.memref_slice %arg2[%mul3A_111, %dma_start3A_112] : memref<160000x32xf32, #tpu.memory_space<hbm>> -> memref<128x32xf32, #tpu.memory_space<hbm>>
      %dma_start3A_114 = arith.constant 0 : i32
      %dma_start3A_115 = tpu.memref_slice %arg2[%mul3A_111, %dma_start3A_114] : memref<160000x32xf32, #tpu.memory_space<hbm>> -> memref<128x32xf32, #tpu.memory_space<hbm>>
      tpu.enqueue_dma source(%dma_start3A_115 : memref<128x32xf32, #tpu.memory_space<hbm>>) target(%arg8 : memref<128x32xf32, #tpu.memory_space<vmem>>) target_semaphore(%arg13 : memref<!tpu.dma_semaphore, #tpu.memory_space<semaphore_mem>>)
      %dma_wait3A_116 = arith.constant 0 : i32
      %dma_wait3A_117 = arith.constant 0 : i32
      %dma_wait3A_118 = tpu.memref_slice %arg3[%dma_wait3A_116, %dma_wait3A_117] : memref<2500x128xi32, #tpu.memory_space<hbm>> -> memref<1x128xi32, #tpu.memory_space<hbm>>
      %dma_wait3A_119 = tpu.memref_squeeze %dma_wait3A_118 : memref<1x128xi32, #tpu.memory_space<hbm>> -> memref<128xi32, #tpu.memory_space<hbm>>
      %dma_wait3A_120 = arith.constant 0 : i32
      %dma_wait3A_121 = tpu.memref_slice %arg3[%dma_wait3A_116, %dma_wait3A_120] : memref<2500x128xi32, #tpu.memory_space<hbm>> -> memref<1x128xi32, #tpu.memory_space<hbm>>
      %dma_wait3A_122 = tpu.memref_squeeze %dma_wait3A_121 : memref<1x128xi32, #tpu.memory_space<hbm>> -> memref<128xi32, #tpu.memory_space<hbm>>
      tpu.wait_dma2 semaphore(%arg12 : memref<!tpu.dma_semaphore, #tpu.memory_space<semaphore_mem>>) src(%dma_wait3A_122 : memref<128xi32, #tpu.memory_space<hbm>>) dst(%arg7 : memref<128xi32, #tpu.memory_space<vmem>>)
      %dma_wait3A_123 = arith.constant 0 : i32
      %dma_wait3A_124 = arith.constant 0 : i32
      %dma_wait3A_125 = tpu.memref_slice %arg2[%dma_wait3A_123, %dma_wait3A_124] : memref<160000x32xf32, #tpu.memory_space<hbm>> -> memref<128x32xf32, #tpu.memory_space<hbm>>
      %dma_wait3A_126 = arith.constant 0 : i32
      %dma_wait3A_127 = arith.constant 0 : i32
      %dma_wait3A_128 = tpu.memref_slice %arg2[%dma_wait3A_126, %dma_wait3A_127] : memref<160000x32xf32, #tpu.memory_space<hbm>> -> memref<128x32xf32, #tpu.memory_space<hbm>>
      tpu.wait_dma2 semaphore(%arg14 : memref<!tpu.dma_semaphore, #tpu.memory_space<semaphore_mem>>) src(%dma_wait3A_128 : memref<128x32xf32, #tpu.memory_space<hbm>>) dst(%arg9 : memref<128x32xf32, #tpu.memory_space<vmem>>)
      "tpu.region"() ({
        %run_scoped3A = tpu.sem_alloc : memref<!tpu.dma_semaphore, #tpu.memory_space<semaphore_mem>>
        %dma_start3A_150 = arith.constant 0 : i32
        %dma_start3A_151 = arith.constant 0 : i32
        %dma_start3A_152 = tpu.memref_slice %arg10[%dma_start3A_150, %dma_start3A_151] : memref<10000x32xf32, #tpu.memory_space<vmem_shared>> -> memref<10000x32xf32, #tpu.memory_space<vmem_shared>>
        tpu.enqueue_indirect_dma source(%arg9 : memref<128x32xf32, #tpu.memory_space<vmem>>) target(%dma_start3A_152 : memref<10000x32xf32, #tpu.memory_space<vmem_shared>>) offsets(%arg7 : memref<128xi32, #tpu.memory_space<vmem>>) semaphore(%run_scoped3A : memref<!tpu.dma_semaphore, #tpu.memory_space<semaphore_mem>>) {add = true}
        %dma_wait3A_153 = arith.constant 0 : i32
        %dma_wait3A_154 = arith.constant 0 : i32
        %dma_wait3A_155 = tpu.memref_slice %arg10[%dma_wait3A_153, %dma_wait3A_154] : memref<10000x32xf32, #tpu.memory_space<vmem_shared>> -> memref<10000x32xf32, #tpu.memory_space<vmem_shared>>
        tpu.wait_indirect_dma semaphore(%run_scoped3A : memref<!tpu.dma_semaphore, #tpu.memory_space<semaphore_mem>>) src(%arg9 : memref<128x32xf32, #tpu.memory_space<vmem>>) dst(%dma_wait3A_155 : memref<10000x32xf32, #tpu.memory_space<vmem_shared>>)
        tpu.yield
      }) : () -> ()
      %add3A_129 = arith.constant 3 : i32
      %add3A_130 = arith.addi %mul3A_81, %add3A_129 : i32
      %mul3A_131 = arith.constant 32 : i32
      %mul3A_132 = arith.muli %mul3A_131, %add3A_130 : i32
      %add3A_133 = arith.addi %add3A, %mul3A_132 : i32
      %min3A_134 = arith.constant 1249 : i32
      %min3A_135 = arith.minsi %add3A_133, %min3A_134 : i32
      %add3A_136 = arith.constant 1250 : i32
      %add3A_137 = arith.addi %min3A_135, %add3A_136 : i32
      %dma_start3A_138 = arith.constant 0 : i32
      %dma_start3A_139 = tpu.memref_slice %arg3[%add3A_137, %dma_start3A_138] : memref<2500x128xi32, #tpu.memory_space<hbm>> -> memref<1x128xi32, #tpu.memory_space<hbm>>
      %dma_start3A_140 = tpu.memref_squeeze %dma_start3A_139 : memref<1x128xi32, #tpu.memory_space<hbm>> -> memref<128xi32, #tpu.memory_space<hbm>>
      %dma_start3A_141 = arith.constant 0 : i32
      %dma_start3A_142 = tpu.memref_slice %arg3[%add3A_137, %dma_start3A_141] : memref<2500x128xi32, #tpu.memory_space<hbm>> -> memref<1x128xi32, #tpu.memory_space<hbm>>
      %dma_start3A_143 = tpu.memref_squeeze %dma_start3A_142 : memref<1x128xi32, #tpu.memory_space<hbm>> -> memref<128xi32, #tpu.memory_space<hbm>>
      tpu.enqueue_dma source(%dma_start3A_143 : memref<128xi32, #tpu.memory_space<hbm>>) target(%arg7 : memref<128xi32, #tpu.memory_space<vmem>>) target_semaphore(%arg12 : memref<!tpu.dma_semaphore, #tpu.memory_space<semaphore_mem>>)
      %mul3A_144 = arith.constant 128 : i32
      %mul3A_145 = arith.muli %min3A_135, %mul3A_144 : i32
      %dma_start3A_146 = arith.constant 0 : i32
      %dma_start3A_147 = tpu.memref_slice %arg2[%mul3A_145, %dma_start3A_146] : memref<160000x32xf32, #tpu.memory_space<hbm>> -> memref<128x32xf32, #tpu.memory_space<hbm>>
      %dma_start3A_148 = arith.constant 0 : i32
      %dma_start3A_149 = tpu.memref_slice %arg2[%mul3A_145, %dma_start3A_148] : memref<160000x32xf32, #tpu.memory_space<hbm>> -> memref<128x32xf32, #tpu.memory_space<hbm>>
      tpu.enqueue_dma source(%dma_start3A_149 : memref<128x32xf32, #tpu.memory_space<hbm>>) target(%arg9 : memref<128x32xf32, #tpu.memory_space<vmem>>) target_semaphore(%arg14 : memref<!tpu.dma_semaphore, #tpu.memory_space<semaphore_mem>>)
    }
    %scan3A_43 = arith.constant 19 : i32
    %dma_wait3A = arith.constant 0 : i32
    %dma_wait3A_44 = arith.constant 0 : i32
    %dma_wait3A_45 = tpu.memref_slice %arg3[%dma_wait3A, %dma_wait3A_44] : memref<2500x128xi32, #tpu.memory_space<hbm>> -> memref<1x128xi32, #tpu.memory_space<hbm>>
    %dma_wait3A_46 = tpu.memref_squeeze %dma_wait3A_45 : memref<1x128xi32, #tpu.memory_space<hbm>> -> memref<128xi32, #tpu.memory_space<hbm>>
    %dma_wait3A_47 = arith.constant 0 : i32
    %dma_wait3A_48 = tpu.memref_slice %arg3[%dma_wait3A, %dma_wait3A_47] : memref<2500x128xi32, #tpu.memory_space<hbm>> -> memref<1x128xi32, #tpu.memory_space<hbm>>
    %dma_wait3A_49 = tpu.memref_squeeze %dma_wait3A_48 : memref<1x128xi32, #tpu.memory_space<hbm>> -> memref<128xi32, #tpu.memory_space<hbm>>
    tpu.wait_dma2 semaphore(%arg11 : memref<!tpu.dma_semaphore, #tpu.memory_space<semaphore_mem>>) src(%dma_wait3A_49 : memref<128xi32, #tpu.memory_space<hbm>>) dst(%arg6 : memref<128xi32, #tpu.memory_space<vmem>>)
    %dma_wait3A_50 = arith.constant 0 : i32
    %dma_wait3A_51 = arith.constant 0 : i32
    %dma_wait3A_52 = tpu.memref_slice %arg2[%dma_wait3A_50, %dma_wait3A_51] : memref<160000x32xf32, #tpu.memory_space<hbm>> -> memref<128x32xf32, #tpu.memory_space<hbm>>
    %dma_wait3A_53 = arith.constant 0 : i32
    %dma_wait3A_54 = arith.constant 0 : i32
    %dma_wait3A_55 = tpu.memref_slice %arg2[%dma_wait3A_53, %dma_wait3A_54] : memref<160000x32xf32, #tpu.memory_space<hbm>> -> memref<128x32xf32, #tpu.memory_space<hbm>>
    tpu.wait_dma2 semaphore(%arg13 : memref<!tpu.dma_semaphore, #tpu.memory_space<semaphore_mem>>) src(%dma_wait3A_55 : memref<128x32xf32, #tpu.memory_space<hbm>>) dst(%arg8 : memref<128x32xf32, #tpu.memory_space<vmem>>)
    "tpu.region"() ({
      %run_scoped3A = tpu.sem_alloc : memref<!tpu.dma_semaphore, #tpu.memory_space<semaphore_mem>>
      %dma_start3A_79 = arith.constant 0 : i32
      %dma_start3A_80 = arith.constant 0 : i32
      %dma_start3A_81 = tpu.memref_slice %arg10[%dma_start3A_79, %dma_start3A_80] : memref<10000x32xf32, #tpu.memory_space<vmem_shared>> -> memref<10000x32xf32, #tpu.memory_space<vmem_shared>>
      tpu.enqueue_indirect_dma source(%arg8 : memref<128x32xf32, #tpu.memory_space<vmem>>) target(%dma_start3A_81 : memref<10000x32xf32, #tpu.memory_space<vmem_shared>>) offsets(%arg6 : memref<128xi32, #tpu.memory_space<vmem>>) semaphore(%run_scoped3A : memref<!tpu.dma_semaphore, #tpu.memory_space<semaphore_mem>>) {add = true}
      %dma_wait3A_82 = arith.constant 0 : i32
      %dma_wait3A_83 = arith.constant 0 : i32
      %dma_wait3A_84 = tpu.memref_slice %arg10[%dma_wait3A_82, %dma_wait3A_83] : memref<10000x32xf32, #tpu.memory_space<vmem_shared>> -> memref<10000x32xf32, #tpu.memory_space<vmem_shared>>
      tpu.wait_indirect_dma semaphore(%run_scoped3A : memref<!tpu.dma_semaphore, #tpu.memory_space<semaphore_mem>>) src(%arg8 : memref<128x32xf32, #tpu.memory_space<vmem>>) dst(%dma_wait3A_84 : memref<10000x32xf32, #tpu.memory_space<vmem_shared>>)
      tpu.yield
    }) : () -> ()
    %dma_wait3A_56 = arith.constant 0 : i32
    %dma_wait3A_57 = arith.constant 0 : i32
    %dma_wait3A_58 = tpu.memref_slice %arg3[%dma_wait3A_56, %dma_wait3A_57] : memref<2500x128xi32, #tpu.memory_space<hbm>> -> memref<1x128xi32, #tpu.memory_space<hbm>>
    %dma_wait3A_59 = tpu.memref_squeeze %dma_wait3A_58 : memref<1x128xi32, #tpu.memory_space<hbm>> -> memref<128xi32, #tpu.memory_space<hbm>>
    %dma_wait3A_60 = arith.constant 0 : i32
    %dma_wait3A_61 = tpu.memref_slice %arg3[%dma_wait3A_56, %dma_wait3A_60] : memref<2500x128xi32, #tpu.memory_space<hbm>> -> memref<1x128xi32, #tpu.memory_space<hbm>>
    %dma_wait3A_62 = tpu.memref_squeeze %dma_wait3A_61 : memref<1x128xi32, #tpu.memory_space<hbm>> -> memref<128xi32, #tpu.memory_space<hbm>>
    tpu.wait_dma2 semaphore(%arg12 : memref<!tpu.dma_semaphore, #tpu.memory_space<semaphore_mem>>) src(%dma_wait3A_62 : memref<128xi32, #tpu.memory_space<hbm>>) dst(%arg7 : memref<128xi32, #tpu.memory_space<vmem>>)
    %dma_wait3A_63 = arith.constant 0 : i32
    %dma_wait3A_64 = arith.constant 0 : i32
    %dma_wait3A_65 = tpu.memref_slice %arg2[%dma_wait3A_63, %dma_wait3A_64] : memref<160000x32xf32, #tpu.memory_space<hbm>> -> memref<128x32xf32, #tpu.memory_space<hbm>>
    %dma_wait3A_66 = arith.constant 0 : i32
    %dma_wait3A_67 = arith.constant 0 : i32
    %dma_wait3A_68 = tpu.memref_slice %arg2[%dma_wait3A_66, %dma_wait3A_67] : memref<160000x32xf32, #tpu.memory_space<hbm>> -> memref<128x32xf32, #tpu.memory_space<hbm>>
    tpu.wait_dma2 semaphore(%arg14 : memref<!tpu.dma_semaphore, #tpu.memory_space<semaphore_mem>>) src(%dma_wait3A_68 : memref<128x32xf32, #tpu.memory_space<hbm>>) dst(%arg9 : memref<128x32xf32, #tpu.memory_space<vmem>>)
    %lt3A = arith.constant 2 : i32
    %lt3A_69 = arith.cmpi slt, %add3A, %lt3A : i32
    %convert_element_type3A = arith.extui %lt3A_69 : i1 to i32
    %cond3A = arith.constant 0 : i32
    %cond3A_70 = arith.cmpi ne, %convert_element_type3A, %cond3A : i32
    scf.if %cond3A_70 {
      "tpu.region"() ({
        %run_scoped3A = tpu.sem_alloc : memref<!tpu.dma_semaphore, #tpu.memory_space<semaphore_mem>>
        %dma_start3A_79 = arith.constant 0 : i32
        %dma_start3A_80 = arith.constant 0 : i32
        %dma_start3A_81 = tpu.memref_slice %arg10[%dma_start3A_79, %dma_start3A_80] : memref<10000x32xf32, #tpu.memory_space<vmem_shared>> -> memref<10000x32xf32, #tpu.memory_space<vmem_shared>>
        tpu.enqueue_indirect_dma source(%arg9 : memref<128x32xf32, #tpu.memory_space<vmem>>) target(%dma_start3A_81 : memref<10000x32xf32, #tpu.memory_space<vmem_shared>>) offsets(%arg7 : memref<128xi32, #tpu.memory_space<vmem>>) semaphore(%run_scoped3A : memref<!tpu.dma_semaphore, #tpu.memory_space<semaphore_mem>>) {add = true}
        %dma_wait3A_82 = arith.constant 0 : i32
        %dma_wait3A_83 = arith.constant 0 : i32
        %dma_wait3A_84 = tpu.memref_slice %arg10[%dma_wait3A_82, %dma_wait3A_83] : memref<10000x32xf32, #tpu.memory_space<vmem_shared>> -> memref<10000x32xf32, #tpu.memory_space<vmem_shared>>
        tpu.wait_indirect_dma semaphore(%run_scoped3A : memref<!tpu.dma_semaphore, #tpu.memory_space<semaphore_mem>>) src(%arg9 : memref<128x32xf32, #tpu.memory_space<vmem>>) dst(%dma_wait3A_84 : memref<10000x32xf32, #tpu.memory_space<vmem_shared>>)
        tpu.yield
      }) : () -> ()
    } else {
    }
    %barrier3A_71 = arith.constant 0 : index
    tpu.barrier barrier_id(%barrier3A_71)
    %mul3A_72 = arith.constant 625 : i32
    %mul3A_73 = arith.muli %arg1, %mul3A_72 : i32
    %mul3A_74 = arith.constant 10000 : i32
    %mul3A_75 = arith.muli %arg0, %mul3A_74 : i32
    %mul3A_76 = arith.constant 625 : i32
    %mul3A_77 = arith.muli %arg1, %mul3A_76 : i32
    %add3A_78 = arith.addi %mul3A_75, %mul3A_77 : i32
    "tpu.region"() ({
      %run_scoped3A = tpu.sem_alloc : memref<!tpu.dma_semaphore, #tpu.memory_space<semaphore_mem>>
      %dma_start3A_79 = arith.constant 0 : i32
      %dma_start3A_80 = tpu.memref_slice %arg5[%add3A_78, %dma_start3A_79] : memref<20000x32xf32, #tpu.memory_space<hbm>> -> memref<625x32xf32, #tpu.memory_space<hbm>>
      %dma_start3A_81 = arith.constant 0 : i32
      %dma_start3A_82 = tpu.memref_slice %arg10[%mul3A_73, %dma_start3A_81] : memref<10000x32xf32, #tpu.memory_space<vmem_shared>> -> memref<625x32xf32, #tpu.memory_space<vmem_shared>>
      tpu.enqueue_dma source(%dma_start3A_82 : memref<625x32xf32, #tpu.memory_space<vmem_shared>>) target(%dma_start3A_80 : memref<625x32xf32, #tpu.memory_space<hbm>>) target_semaphore(%run_scoped3A : memref<!tpu.dma_semaphore, #tpu.memory_space<semaphore_mem>>)
      %dma_wait3A_83 = arith.constant 0 : i32
      %dma_wait3A_84 = tpu.memref_slice %arg5[%add3A_78, %dma_wait3A_83] : memref<20000x32xf32, #tpu.memory_space<hbm>> -> memref<625x32xf32, #tpu.memory_space<hbm>>
      %dma_wait3A_85 = arith.constant 0 : i32
      %dma_wait3A_86 = tpu.memref_slice %arg10[%mul3A_73, %dma_wait3A_85] : memref<10000x32xf32, #tpu.memory_space<vmem_shared>> -> memref<625x32xf32, #tpu.memory_space<vmem_shared>>
      tpu.wait_dma2 semaphore(%run_scoped3A : memref<!tpu.dma_semaphore, #tpu.memory_space<semaphore_mem>>) src(%dma_wait3A_86 : memref<625x32xf32, #tpu.memory_space<vmem_shared>>) dst(%dma_wait3A_84 : memref<625x32xf32, #tpu.memory_space<hbm>>)
      tpu.yield
    }) : () -> ()
    return
  }
}

module attributes {stable_mosaic.version = 14 : i64} {
  func.func @_msg_body(%arg0: i32, %arg1: memref<4000x16xf32, #tpu.memory_space<vmem>>, %arg2: memref<4000x32xf32, #tpu.memory_space<vmem>>, %arg3: memref<16x32xbf16, #tpu.memory_space<vmem>>, %arg4: memref<1x32xf32, #tpu.memory_space<vmem>>, %arg5: memref<33x1024xbf16, #tpu.memory_space<vmem>>, %arg6: memref<32x1024xbf16, #tpu.memory_space<vmem>>, %arg7: memref<4000x32xf32, #tpu.memory_space<vmem>>) attributes {dimension_semantics = [#tpu.dimension_semantics<parallel>], iteration_bounds = array<i64: 40>, scalar_prefetch = 0 : i64, scratch_operands = 0 : i64, tpu.core_type = #tpu.core_type<tc>, window_params = [{transform_indices = @transform_0, window_bounds = array<i64: 4000, 16>}, {transform_indices = @transform_1, window_bounds = array<i64: 4000, 32>}, {pipeline_mode = #tpu.pipeline_mode<synchronous>, transform_indices = @transform_2, window_bounds = array<i64: 16, 32>}, {pipeline_mode = #tpu.pipeline_mode<synchronous>, transform_indices = @transform_3, window_bounds = array<i64: 1, 32>}, {pipeline_mode = #tpu.pipeline_mode<synchronous>, transform_indices = @transform_4, window_bounds = array<i64: 33, 1024>}, {pipeline_mode = #tpu.pipeline_mode<synchronous>, transform_indices = @transform_5, window_bounds = array<i64: 32, 1024>}, {transform_indices = @transform_6, window_bounds = array<i64: 4000, 32>}]} {
    %get3A = arith.constant 0 : index
    %get3A_0 = arith.constant 0 : index
    %get3A_1 = vector.load %arg1[%get3A, %get3A_0] : memref<4000x16xf32, #tpu.memory_space<vmem>>, vector<4000x16xf32>
    %convert_element_type3A = arith.truncf %get3A_1 : vector<4000x16xf32> to vector<4000x16xbf16>
    %get3A_2 = arith.constant 0 : index
    %get3A_3 = arith.constant 0 : index
    %get3A_4 = vector.load %arg3[%get3A_2, %get3A_3] : memref<16x32xbf16, #tpu.memory_space<vmem>>, vector<16x32xbf16>
    %dot_general3A = arith.constant dense<0.000000e+00> : vector<4000x32xf32>
    %dot_general3A_5 = tpu.matmul %convert_element_type3A, %get3A_4, %dot_general3A {dimension_numbers = #tpu.dot_dimension_numbers<[1], [0], [0], [1], [0, 0, 1, 1], [], []>, transpose_lhs_hint = false} : vector<4000x16xbf16>, vector<16x32xbf16>, vector<4000x32xf32> -> vector<4000x32xf32>
    %get3A_6 = arith.constant 0 : index
    %get3A_7 = arith.constant 0 : index
    %get3A_8 = vector.load %arg4[%get3A_6, %get3A_7] : memref<1x32xf32, #tpu.memory_space<vmem>>, vector<1x32xf32>
    %add3A = vector.broadcast %get3A_8 : vector<1x32xf32> to vector<4000x32xf32>
    %add3A_9 = arith.addf %dot_general3A_5, %add3A : vector<4000x32xf32>
    %mul3A = arith.constant 5.000000e-01 : f32
    %mul3A_10 = vector.broadcast %mul3A : f32 to vector<4000x32xf32>
    %mul3A_11 = arith.mulf %mul3A_10, %add3A_9 : vector<4000x32xf32>
    %mul3A_12 = arith.constant 0.707106769 : f32
    %mul3A_13 = vector.broadcast %mul3A_12 : f32 to vector<4000x32xf32>
    %mul3A_14 = arith.mulf %add3A_9, %mul3A_13 : vector<4000x32xf32>
    %erf3A = math.erf %mul3A_14 : vector<4000x32xf32>
    %add3A_15 = arith.constant 1.000000e+00 : f32
    %add3A_16 = vector.broadcast %add3A_15 : f32 to vector<4000x32xf32>
    %add3A_17 = arith.addf %add3A_16, %erf3A : vector<4000x32xf32>
    %mul3A_18 = arith.mulf %mul3A_11, %add3A_17 : vector<4000x32xf32>
    %broadcast_in_dim3A = arith.constant 1.000000e+00 : f32
    %broadcast_in_dim3A_19 = vector.broadcast %broadcast_in_dim3A : f32 to vector<4000x1xf32>
    %concatenate3A = tpu.concatenate %mul3A_18, %broadcast_in_dim3A_19 in 1 : vector<4000x32xf32>, vector<4000x1xf32> -> vector<4000x33xf32>
    %convert_element_type3A_20 = arith.truncf %concatenate3A : vector<4000x33xf32> to vector<4000x33xbf16>
    %get3A_21 = arith.constant 0 : index
    %get3A_22 = arith.constant 0 : index
    %get3A_23 = vector.load %arg2[%get3A_21, %get3A_22] : memref<4000x32xf32, #tpu.memory_space<vmem>>, vector<4000x32xf32>
    %convert_element_type3A_24 = arith.truncf %get3A_23 : vector<4000x32xf32> to vector<4000x32xbf16>
    %get3A_25 = arith.constant 0 : index
    %get3A_26 = arith.constant 0 : index
    %get3A_27 = vector.load %arg5[%get3A_25, %get3A_26] : memref<33x1024xbf16, #tpu.memory_space<vmem>>, vector<33x256xbf16>
    %dot_general3A_28 = arith.constant dense<0.000000e+00> : vector<4000x256xf32>
    %dot_general3A_29 = tpu.matmul %convert_element_type3A_20, %get3A_27, %dot_general3A_28 {dimension_numbers = #tpu.dot_dimension_numbers<[1], [0], [0], [1], [0, 0, 1, 1], [], []>, transpose_lhs_hint = false} : vector<4000x33xbf16>, vector<33x256xbf16>, vector<4000x256xf32> -> vector<4000x256xf32>
    %get3A_30 = arith.constant 0 : index
    %get3A_31 = arith.constant 0 : index
    %get3A_32 = vector.load %arg6[%get3A_30, %get3A_31] : memref<32x1024xbf16, #tpu.memory_space<vmem>>, vector<32x256xbf16>
    %dot_general3A_33 = arith.constant dense<0.000000e+00> : vector<4000x256xf32>
    %dot_general3A_34 = tpu.matmul %convert_element_type3A_24, %get3A_32, %dot_general3A_33 {dimension_numbers = #tpu.dot_dimension_numbers<[1], [0], [0], [1], [0, 0, 1, 1], [], []>, transpose_lhs_hint = false} : vector<4000x32xbf16>, vector<32x256xbf16>, vector<4000x256xf32> -> vector<4000x256xf32>
    %mul3A_35 = arith.mulf %dot_general3A_29, %dot_general3A_34 : vector<4000x256xf32>
    %slice3A = vector.extract_strided_slice %mul3A_35 {offsets = [0, 0], sizes = [4000, 128], strides = [1, 1]} : vector<4000x256xf32> to vector<4000x128xf32>
    %slice3A_36 = vector.extract_strided_slice %mul3A_35 {offsets = [0, 128], sizes = [4000, 128], strides = [1, 1]} : vector<4000x256xf32> to vector<4000x128xf32>
    %add3A_37 = arith.addf %slice3A, %slice3A_36 : vector<4000x128xf32>
    %get3A_38 = arith.constant 0 : index
    %get3A_39 = arith.constant 256 : index
    %get3A_40 = vector.load %arg5[%get3A_38, %get3A_39] : memref<33x1024xbf16, #tpu.memory_space<vmem>>, vector<33x256xbf16>
    %dot_general3A_41 = arith.constant dense<0.000000e+00> : vector<4000x256xf32>
    %dot_general3A_42 = tpu.matmul %convert_element_type3A_20, %get3A_40, %dot_general3A_41 {dimension_numbers = #tpu.dot_dimension_numbers<[1], [0], [0], [1], [0, 0, 1, 1], [], []>, transpose_lhs_hint = false} : vector<4000x33xbf16>, vector<33x256xbf16>, vector<4000x256xf32> -> vector<4000x256xf32>
    %get3A_43 = arith.constant 0 : index
    %get3A_44 = arith.constant 256 : index
    %get3A_45 = vector.load %arg6[%get3A_43, %get3A_44] : memref<32x1024xbf16, #tpu.memory_space<vmem>>, vector<32x256xbf16>
    %dot_general3A_46 = arith.constant dense<0.000000e+00> : vector<4000x256xf32>
    %dot_general3A_47 = tpu.matmul %convert_element_type3A_24, %get3A_45, %dot_general3A_46 {dimension_numbers = #tpu.dot_dimension_numbers<[1], [0], [0], [1], [0, 0, 1, 1], [], []>, transpose_lhs_hint = false} : vector<4000x32xbf16>, vector<32x256xbf16>, vector<4000x256xf32> -> vector<4000x256xf32>
    %mul3A_48 = arith.mulf %dot_general3A_42, %dot_general3A_47 : vector<4000x256xf32>
    %slice3A_49 = vector.extract_strided_slice %mul3A_48 {offsets = [0, 0], sizes = [4000, 128], strides = [1, 1]} : vector<4000x256xf32> to vector<4000x128xf32>
    %slice3A_50 = vector.extract_strided_slice %mul3A_48 {offsets = [0, 128], sizes = [4000, 128], strides = [1, 1]} : vector<4000x256xf32> to vector<4000x128xf32>
    %add3A_51 = arith.addf %slice3A_49, %slice3A_50 : vector<4000x128xf32>
    %add3A_52 = arith.addf %add3A_37, %add3A_51 : vector<4000x128xf32>
    %get3A_53 = arith.constant 0 : index
    %get3A_54 = arith.constant 512 : index
    %get3A_55 = vector.load %arg5[%get3A_53, %get3A_54] : memref<33x1024xbf16, #tpu.memory_space<vmem>>, vector<33x256xbf16>
    %dot_general3A_56 = arith.constant dense<0.000000e+00> : vector<4000x256xf32>
    %dot_general3A_57 = tpu.matmul %convert_element_type3A_20, %get3A_55, %dot_general3A_56 {dimension_numbers = #tpu.dot_dimension_numbers<[1], [0], [0], [1], [0, 0, 1, 1], [], []>, transpose_lhs_hint = false} : vector<4000x33xbf16>, vector<33x256xbf16>, vector<4000x256xf32> -> vector<4000x256xf32>
    %get3A_58 = arith.constant 0 : index
    %get3A_59 = arith.constant 512 : index
    %get3A_60 = vector.load %arg6[%get3A_58, %get3A_59] : memref<32x1024xbf16, #tpu.memory_space<vmem>>, vector<32x256xbf16>
    %dot_general3A_61 = arith.constant dense<0.000000e+00> : vector<4000x256xf32>
    %dot_general3A_62 = tpu.matmul %convert_element_type3A_24, %get3A_60, %dot_general3A_61 {dimension_numbers = #tpu.dot_dimension_numbers<[1], [0], [0], [1], [0, 0, 1, 1], [], []>, transpose_lhs_hint = false} : vector<4000x32xbf16>, vector<32x256xbf16>, vector<4000x256xf32> -> vector<4000x256xf32>
    %mul3A_63 = arith.mulf %dot_general3A_57, %dot_general3A_62 : vector<4000x256xf32>
    %slice3A_64 = vector.extract_strided_slice %mul3A_63 {offsets = [0, 0], sizes = [4000, 128], strides = [1, 1]} : vector<4000x256xf32> to vector<4000x128xf32>
    %slice3A_65 = vector.extract_strided_slice %mul3A_63 {offsets = [0, 128], sizes = [4000, 128], strides = [1, 1]} : vector<4000x256xf32> to vector<4000x128xf32>
    %add3A_66 = arith.addf %slice3A_64, %slice3A_65 : vector<4000x128xf32>
    %add3A_67 = arith.addf %add3A_52, %add3A_66 : vector<4000x128xf32>
    %get3A_68 = arith.constant 0 : index
    %get3A_69 = arith.constant 768 : index
    %get3A_70 = vector.load %arg5[%get3A_68, %get3A_69] : memref<33x1024xbf16, #tpu.memory_space<vmem>>, vector<33x256xbf16>
    %dot_general3A_71 = arith.constant dense<0.000000e+00> : vector<4000x256xf32>
    %dot_general3A_72 = tpu.matmul %convert_element_type3A_20, %get3A_70, %dot_general3A_71 {dimension_numbers = #tpu.dot_dimension_numbers<[1], [0], [0], [1], [0, 0, 1, 1], [], []>, transpose_lhs_hint = false} : vector<4000x33xbf16>, vector<33x256xbf16>, vector<4000x256xf32> -> vector<4000x256xf32>
    %get3A_73 = arith.constant 0 : index
    %get3A_74 = arith.constant 768 : index
    %get3A_75 = vector.load %arg6[%get3A_73, %get3A_74] : memref<32x1024xbf16, #tpu.memory_space<vmem>>, vector<32x256xbf16>
    %dot_general3A_76 = arith.constant dense<0.000000e+00> : vector<4000x256xf32>
    %dot_general3A_77 = tpu.matmul %convert_element_type3A_24, %get3A_75, %dot_general3A_76 {dimension_numbers = #tpu.dot_dimension_numbers<[1], [0], [0], [1], [0, 0, 1, 1], [], []>, transpose_lhs_hint = false} : vector<4000x32xbf16>, vector<32x256xbf16>, vector<4000x256xf32> -> vector<4000x256xf32>
    %mul3A_78 = arith.mulf %dot_general3A_72, %dot_general3A_77 : vector<4000x256xf32>
    %slice3A_79 = vector.extract_strided_slice %mul3A_78 {offsets = [0, 0], sizes = [4000, 128], strides = [1, 1]} : vector<4000x256xf32> to vector<4000x128xf32>
    %slice3A_80 = vector.extract_strided_slice %mul3A_78 {offsets = [0, 128], sizes = [4000, 128], strides = [1, 1]} : vector<4000x256xf32> to vector<4000x128xf32>
    %add3A_81 = arith.addf %slice3A_79, %slice3A_80 : vector<4000x128xf32>
    %add3A_82 = arith.addf %add3A_67, %add3A_81 : vector<4000x128xf32>
    %slice3A_83 = vector.extract_strided_slice %add3A_82 {offsets = [0, 0], sizes = [4000, 64], strides = [1, 1]} : vector<4000x128xf32> to vector<4000x64xf32>
    %slice3A_84 = vector.extract_strided_slice %add3A_82 {offsets = [0, 64], sizes = [4000, 64], strides = [1, 1]} : vector<4000x128xf32> to vector<4000x64xf32>
    %add3A_85 = arith.addf %slice3A_83, %slice3A_84 : vector<4000x64xf32>
    %slice3A_86 = vector.extract_strided_slice %add3A_85 {offsets = [0, 0], sizes = [4000, 32], strides = [1, 1]} : vector<4000x64xf32> to vector<4000x32xf32>
    %slice3A_87 = vector.extract_strided_slice %add3A_85 {offsets = [0, 32], sizes = [4000, 32], strides = [1, 1]} : vector<4000x64xf32> to vector<4000x32xf32>
    %add3A_88 = arith.addf %slice3A_86, %slice3A_87 : vector<4000x32xf32>
    %swap3A = arith.constant 0 : index
    %swap3A_89 = arith.constant 0 : index
    %swap3A_90 = vector.load %arg7[%swap3A, %swap3A_89] : memref<4000x32xf32, #tpu.memory_space<vmem>>, vector<4000x32xf32>
    tpu.vector_store %arg7[%swap3A, %swap3A_89], %add3A_88 {strides = array<i32>} : memref<4000x32xf32, #tpu.memory_space<vmem>>, vector<4000x32xf32>,
    return
  }
  func.func @transform_0(%arg0: i32) -> (i32, i32) {
    %c0_i32 = arith.constant 0 : i32
    %c0_i32_0 = arith.constant 0 : i32
    return %arg0, %c0_i32 : i32, i32
  }
  func.func @transform_1(%arg0: i32) -> (i32, i32) {
    %c0_i32 = arith.constant 0 : i32
    %c0_i32_0 = arith.constant 0 : i32
    return %arg0, %c0_i32 : i32, i32
  }
  func.func @transform_2(%arg0: i32) -> (i32, i32) {
    %c0_i32 = arith.constant 0 : i32
    %c0_i32_0 = arith.constant 0 : i32
    %c0_i32_1 = arith.constant 0 : i32
    return %c0_i32, %c0_i32_0 : i32, i32
  }
  func.func @transform_3(%arg0: i32) -> (i32, i32) {
    %c0_i32 = arith.constant 0 : i32
    %c0_i32_0 = arith.constant 0 : i32
    %c0_i32_1 = arith.constant 0 : i32
    return %c0_i32, %c0_i32_0 : i32, i32
  }
  func.func @transform_4(%arg0: i32) -> (i32, i32) {
    %c0_i32 = arith.constant 0 : i32
    %c0_i32_0 = arith.constant 0 : i32
    %c0_i32_1 = arith.constant 0 : i32
    return %c0_i32, %c0_i32_0 : i32, i32
  }
  func.func @transform_5(%arg0: i32) -> (i32, i32) {
    %c0_i32 = arith.constant 0 : i32
    %c0_i32_0 = arith.constant 0 : i32
    %c0_i32_1 = arith.constant 0 : i32
    return %c0_i32, %c0_i32_0 : i32, i32
  }
  func.func @transform_6(%arg0: i32) -> (i32, i32) {
    %c0_i32 = arith.constant 0 : i32
    %c0_i32_0 = arith.constant 0 : i32
    return %arg0, %c0_i32 : i32, i32
  }
}

module attributes {stable_mosaic.version = 14 : i64} {
  func.func @_update_body(%arg0: i32, %arg1: memref<2000x32xf32, #tpu.memory_space<vmem>>, %arg2: memref<2000x32xf32, #tpu.memory_space<vmem>>, %arg3: memref<2000x32xf32, #tpu.memory_space<vmem>>, %arg4: memref<32x32xf32, #tpu.memory_space<vmem>>, %arg5: memref<1x32xf32, #tpu.memory_space<vmem>>, %arg6: memref<1x32xf32, #tpu.memory_space<vmem>>, %arg7: memref<1x32xf32, #tpu.memory_space<vmem>>, %arg8: memref<2000x32xf32, #tpu.memory_space<vmem>>) attributes {dimension_semantics = [#tpu.dimension_semantics<arbitrary>], iteration_bounds = array<i64: 5>, scalar_prefetch = 0 : i64, scratch_operands = 0 : i64, tpu.core_type = #tpu.core_type<tc>, window_params = [{transform_indices = @transform_0, window_bounds = array<i64: 2000, 32>}, {transform_indices = @transform_1, window_bounds = array<i64: 2000, 32>}, {transform_indices = @transform_2, window_bounds = array<i64: 2000, 32>}, {pipeline_mode = #tpu.pipeline_mode<synchronous>, transform_indices = @transform_3, window_bounds = array<i64: 32, 32>}, {pipeline_mode = #tpu.pipeline_mode<synchronous>, transform_indices = @transform_4, window_bounds = array<i64: 1, 32>}, {pipeline_mode = #tpu.pipeline_mode<synchronous>, transform_indices = @transform_5, window_bounds = array<i64: 1, 32>}, {pipeline_mode = #tpu.pipeline_mode<synchronous>, transform_indices = @transform_6, window_bounds = array<i64: 1, 32>}, {transform_indices = @transform_7, window_bounds = array<i64: 2000, 32>}]} {
    %get3A = arith.constant 0 : index
    %get3A_0 = arith.constant 0 : index
    %get3A_1 = vector.load %arg1[%get3A, %get3A_0] : memref<2000x32xf32, #tpu.memory_space<vmem>>, vector<2000x32xf32>
    %get3A_2 = arith.constant 0 : index
    %get3A_3 = arith.constant 0 : index
    %get3A_4 = vector.load %arg2[%get3A_2, %get3A_3] : memref<2000x32xf32, #tpu.memory_space<vmem>>, vector<2000x32xf32>
    %get3A_5 = arith.constant 0 : index
    %get3A_6 = arith.constant 0 : index
    %get3A_7 = vector.load %arg3[%get3A_5, %get3A_6] : memref<2000x32xf32, #tpu.memory_space<vmem>>, vector<2000x32xf32>
    %add3A = arith.addf %get3A_4, %get3A_7 : vector<2000x32xf32>
    %get3A_8 = arith.constant 0 : index
    %get3A_9 = arith.constant 0 : index
    %get3A_10 = vector.load %arg4[%get3A_8, %get3A_9] : memref<32x32xf32, #tpu.memory_space<vmem>>, vector<32x32xf32>
    %dot_general3A = arith.constant dense<0.000000e+00> : vector<2000x32xf32>
    %dot_general3A_11 = tpu.matmul %get3A_1, %get3A_10, %dot_general3A {dimension_numbers = #tpu.dot_dimension_numbers<[1], [0], [0], [1], [0, 0, 1, 1], [], []>, transpose_lhs_hint = false} : vector<2000x32xf32>, vector<32x32xf32>, vector<2000x32xf32> -> vector<2000x32xf32>
    %add3A_12 = arith.addf %add3A, %dot_general3A_11 : vector<2000x32xf32>
    %get3A_13 = arith.constant 0 : index
    %get3A_14 = arith.constant 0 : index
    %get3A_15 = vector.load %arg5[%get3A_13, %get3A_14] : memref<1x32xf32, #tpu.memory_space<vmem>>, vector<1x32xf32>
    %add3A_16 = vector.broadcast %get3A_15 : vector<1x32xf32> to vector<2000x32xf32>
    %add3A_17 = arith.addf %add3A_12, %add3A_16 : vector<2000x32xf32>
    %mul3A = arith.constant 5.000000e-01 : f32
    %mul3A_18 = vector.broadcast %mul3A : f32 to vector<2000x32xf32>
    %mul3A_19 = arith.mulf %mul3A_18, %add3A_17 : vector<2000x32xf32>
    %mul3A_20 = arith.constant 0.707106769 : f32
    %mul3A_21 = vector.broadcast %mul3A_20 : f32 to vector<2000x32xf32>
    %mul3A_22 = arith.mulf %add3A_17, %mul3A_21 : vector<2000x32xf32>
    %erf3A = math.erf %mul3A_22 : vector<2000x32xf32>
    %add3A_23 = arith.constant 1.000000e+00 : f32
    %add3A_24 = vector.broadcast %add3A_23 : f32 to vector<2000x32xf32>
    %add3A_25 = arith.addf %add3A_24, %erf3A : vector<2000x32xf32>
    %mul3A_26 = arith.mulf %mul3A_19, %add3A_25 : vector<2000x32xf32>
    %add3A_27 = arith.addf %mul3A_26, %get3A_1 : vector<2000x32xf32>
    %reduce_sum3A = arith.constant dense<0.000000e+00> : vector<2000xf32>
    %reduce_sum3A_28 = vector.multi_reduction <add>, %add3A_27, %reduce_sum3A [1] : vector<2000x32xf32> to vector<2000xf32>
    %broadcast_in_dim3A = vector.shape_cast %reduce_sum3A_28 : vector<2000xf32> to vector<2000x1xf32>
    %div3A = arith.constant 3.200000e+01 : f32
    %div3A_29 = vector.broadcast %div3A : f32 to vector<2000x1xf32>
    %div3A_30 = arith.divf %broadcast_in_dim3A, %div3A_29 : vector<2000x1xf32>
    %sub3A = vector.broadcast %div3A_30 : vector<2000x1xf32> to vector<2000x32xf32>
    %sub3A_31 = arith.subf %add3A_27, %sub3A : vector<2000x32xf32>
    %mul3A_32 = arith.mulf %sub3A_31, %sub3A_31 : vector<2000x32xf32>
    %reduce_sum3A_33 = arith.constant dense<0.000000e+00> : vector<2000xf32>
    %reduce_sum3A_34 = vector.multi_reduction <add>, %mul3A_32, %reduce_sum3A_33 [1] : vector<2000x32xf32> to vector<2000xf32>
    %broadcast_in_dim3A_35 = vector.shape_cast %reduce_sum3A_34 : vector<2000xf32> to vector<2000x1xf32>
    %div3A_36 = arith.constant 3.200000e+01 : f32
    %div3A_37 = vector.broadcast %div3A_36 : f32 to vector<2000x1xf32>
    %div3A_38 = arith.divf %broadcast_in_dim3A_35, %div3A_37 : vector<2000x1xf32>
    %get3A_39 = arith.constant 0 : index
    %get3A_40 = arith.constant 0 : index
    %get3A_41 = vector.load %arg6[%get3A_39, %get3A_40] : memref<1x32xf32, #tpu.memory_space<vmem>>, vector<1x32xf32>
    %mul3A_42 = vector.broadcast %get3A_41 : vector<1x32xf32> to vector<2000x32xf32>
    %mul3A_43 = arith.mulf %mul3A_42, %sub3A_31 : vector<2000x32xf32>
    %add3A_44 = arith.constant 9.99999974E-6 : f32
    %add3A_45 = vector.broadcast %add3A_44 : f32 to vector<2000x1xf32>
    %add3A_46 = arith.addf %div3A_38, %add3A_45 : vector<2000x1xf32>
    %rsqrt3A = math.rsqrt %add3A_46 : vector<2000x1xf32>
    %mul3A_47 = vector.broadcast %rsqrt3A : vector<2000x1xf32> to vector<2000x32xf32>
    %mul3A_48 = arith.mulf %mul3A_43, %mul3A_47 : vector<2000x32xf32>
    %get3A_49 = arith.constant 0 : index
    %get3A_50 = arith.constant 0 : index
    %get3A_51 = vector.load %arg7[%get3A_49, %get3A_50] : memref<1x32xf32, #tpu.memory_space<vmem>>, vector<1x32xf32>
    %add3A_52 = vector.broadcast %get3A_51 : vector<1x32xf32> to vector<2000x32xf32>
    %add3A_53 = arith.addf %mul3A_48, %add3A_52 : vector<2000x32xf32>
    %swap3A = arith.constant 0 : index
    %swap3A_54 = arith.constant 0 : index
    %swap3A_55 = vector.load %arg8[%swap3A, %swap3A_54] : memref<2000x32xf32, #tpu.memory_space<vmem>>, vector<2000x32xf32>
    tpu.vector_store %arg8[%swap3A, %swap3A_54], %add3A_53 {strides = array<i32>} : memref<2000x32xf32, #tpu.memory_space<vmem>>, vector<2000x32xf32>,
    return
  }
  func.func @transform_0(%arg0: i32) -> (i32, i32) {
    %c0_i32 = arith.constant 0 : i32
    %c0_i32_0 = arith.constant 0 : i32
    return %arg0, %c0_i32 : i32, i32
  }
  func.func @transform_1(%arg0: i32) -> (i32, i32) {
    %c0_i32 = arith.constant 0 : i32
    %c0_i32_0 = arith.constant 0 : i32
    return %arg0, %c0_i32 : i32, i32
  }
  func.func @transform_2(%arg0: i32) -> (i32, i32) {
    %add3A = arith.constant 5 : i32
    %add3A_0 = arith.addi %arg0, %add3A : i32
    %c0_i32 = arith.constant 0 : i32
    %c0_i32_1 = arith.constant 0 : i32
    return %add3A_0, %c0_i32 : i32, i32
  }
  func.func @transform_3(%arg0: i32) -> (i32, i32) {
    %c0_i32 = arith.constant 0 : i32
    %c0_i32_0 = arith.constant 0 : i32
    %c0_i32_1 = arith.constant 0 : i32
    return %c0_i32, %c0_i32_0 : i32, i32
  }
  func.func @transform_4(%arg0: i32) -> (i32, i32) {
    %c0_i32 = arith.constant 0 : i32
    %c0_i32_0 = arith.constant 0 : i32
    %c0_i32_1 = arith.constant 0 : i32
    return %c0_i32, %c0_i32_0 : i32, i32
  }
  func.func @transform_5(%arg0: i32) -> (i32, i32) {
    %c0_i32 = arith.constant 0 : i32
    %c0_i32_0 = arith.constant 0 : i32
    %c0_i32_1 = arith.constant 0 : i32
    return %c0_i32, %c0_i32_0 : i32, i32
  }
  func.func @transform_6(%arg0: i32) -> (i32, i32) {
    %c0_i32 = arith.constant 0 : i32
    %c0_i32_0 = arith.constant 0 : i32
    %c0_i32_1 = arith.constant 0 : i32
    return %c0_i32, %c0_i32_0 : i32, i32
  }
  func.func @transform_7(%arg0: i32) -> (i32, i32) {
    %c0_i32 = arith.constant 0 : i32
    %c0_i32_0 = arith.constant 0 : i32
    return %arg0, %c0_i32 : i32, i32
  }
}

</mosaic_0001>

<sc_bundles>
// kernel: kernel.6.cloned.1.call-start
scs
__scs_entry_jumppad:
0x0: {  	(pc) =	sbr.rel $0x88, $3  }
0x1: {  	(tag) =	ssettag $0x0;
	lr =	simm.s32 $0x1  }
0x2: {  	[smem:$0x3F96] =	sst lr;
	_ =	strace $0xD0000000  }
0x3: {  	_ = 	snop  }
0x4: {  	_ = 	snop  }
0x5: {  	_ = 	snop  }
0x6: {  	_ = 	snop  }
0x7: {  	_ = 	snop  }
__scs_overlays_trampoline_lowered:
0x8: {  	[smem:$0x3FA5] =	sst s0  }
0x9: {  	[smem:$0x3FA6] =	sst s1  }
0xa: {  	[smem:$0x3FA7] =	sst s2  }
0xb: {  	[smem:$0x3FA8] =	sst s3  }
0xc: {  	[smem:$0x3FA9] =	sst s4  }
0xd: {  	[smem:$0x3FAA] =	sst s5  }
0xe: {  	[smem:$0x3FAB] =	sst s6  }
0xf: {  	[smem:$0x3FAC] =	sst s7  }
0x10: {  	[smem:$0x3FAD] =	sst s8  }
0x11: {  	[smem:$0x3FAE] =	sst s9;
	s0 =	simm.s32 @!p0 $0x0  }
0x12: {  	s1 =	sld [smem:$0x3F94];
	s0 =	simm.s32 @p0 $0x1  }
0x13: {  	[smem:$0x3FAF] =	sst s0;
	s0 =	simm.s32 @!p1 $0x0  }
0x14: {  	s2 =	sld [smem:$0x3F93];
	s0 =	simm.s32 @p1 $0x1  }
0x15: {  	[smem:$0x3FB0] =	sst s0;
	s0 =	simm.s32 @!p2 $0x0  }
0x16: {  	s3 =	sld [smem:$0x3FDB];
	s0 =	simm.s32 @p2 $0x1  }
0x17: {  	s4 =	simm.s32 $0x1BF5;
	[smem:$0x3FB2] =	sst s0  }
0x18: {  	s0 =	sld [smem:$0x3F95];
	_ =	swait.ge [sflag:s4], $0x0  }
0x19: {  	s7 =	sld [smem:$0x3F96]  }
0x1a: {  	s8 =	sadd.s32 $0xFFFFE003, lr  }
0x1b: {  	s9 =	sadd.s32 $0xFFFFFEF7, lr;
	s5 =	simm.s32 $0xFFFFFFFF;
	p2 =	slt.u32 s8, $0xFFFFF086  }
0x1c: {  	p1 =	slt.u32 s9, $0xF7A;
	s5 =	simm.s32 @!p2 $0x0  }
0x1d: {  	s5 =	simm.s32 @p1 $0x1;
	p0 =	seq.s32 s7, s2  }
0x1e: {  	s7 =	smul.u32 @!p0 $0xF7A, s2;
	p2 =	seq.s32 @!p0 s5, $0x0  }
0x1f: {  	s9 =	smul.u32 $0xF7A, s1;
	s8 =	simm.s32 @!p0 $0x1BF5;
	p2 =	por !p2, p0  }
0x20: {  	[sflag:s8] =	ssyncset.s32 @!p0 $0xFFFFF086;
	s6 =	sadd.s32 @!p0 s3, s7;
	s7 =	simm.s32 @!p0 $0x108  }
0x21: {  	s3 =	sadd.s32 s3, s9;
	s6 =	sadd.s32 @!p0 $0x88, s6;
	s7 =	simm.s32 @p2 $0x1082  }
0x22: {  	[simem:s7], [sflag:s8] =	dma.local @!p0 [hbm:s6], $0xF7A  }
0x23: {  	s9 =	sor.u32 $0xD0000000, s2;
	s6 =	simm.s32 $0x108;
	_ =	swait.ge @!p0 [sflag:s8], $0x0  }
0x24: {  	s3 =	sadd.s32 $0x88, s3;
	s6 =	simm.s32 @!p1 $0x1082;
	[sflag:s4] =	ssyncset.s32 $0xFFFFF086  }
0x25: {  	[simem:s6], [sflag:s4] =	dma.local [hbm:s3], $0xF7A  }
0x26: {  	[smem:$0x3F96] =	sst s1;
	(tag) =	ssettag s2;
	_ =	strace s9  }
0x27: {  	s1 =	sld [smem:$0x3FA6]  }
0x28: {  	s2 =	sld [smem:$0x3FA7]  }
0x29: {  	s4 =	sld [smem:$0x3FA9]  }
0x2a: {  	p0 =	seq.s32 s5, $0x0;
	s5 =	sld [smem:$0x3FAA]  }
0x2b: {  	s6 =	sld [smem:$0x3FAB]  }
0x2c: {  	s7 =	sld [smem:$0x3FAC]  }
0x2d: {  	s3 =	simm.s32 $0x108;
	s8 =	sld [smem:$0x3FAD]  }
0x2e: {  	s3 =	simm.s32 @!p0 $0x1082;
	s9 =	sld [smem:$0x3FAE]  }
0x2f: {  	lr =	sadd.s32 s0, s3;
	s0 =	sld [smem:$0x3FA5]  }
0x30: {  	s3 =	sld [smem:$0x3FA8]  }
0x31: {  	[smem:$0x3FB1] =	sst s10  }
0x32: {  	s10 =	sld [smem:$0x3FAF];
	_ =	sdelay $0x3  }
0x33: {  	p0 =	seq.s32 s10, $0x1;
	s10 =	sld [smem:$0x3FB1];
	_ =	sdelay $0x3  }
0x34: {  	[smem:$0x3FB1] =	sst s10  }
0x35: {  	s10 =	sld [smem:$0x3FB0];
	_ =	sdelay $0x3  }
0x36: {  	p1 =	seq.s32 s10, $0x1;
	s10 =	sld [smem:$0x3FB1];
	_ =	sdelay $0x3  }
0x37: {  	[smem:$0x3FB1] =	sst s10  }
0x38: {  	s10 =	sld [smem:$0x3FB2]  }
0x39: {  	_ = 	snop;
	(pc) =	sbr.ind lr, $3  }
0x3a: {  	_ = 	snop  }
0x3b: {  	_ = 	snop  }
0x3c: {  	p2 =	seq.s32 s10, $0x1;
	s10 =	sld [smem:$0x3FB1]  }
0x3d: {  	_ =	shalt  }
0x3e: {  	_ =	shalt  }
0x3f: {  	_ =	shalt  }
0x40: {  	_ =	shalt  }
0x41: {  	_ =	shalt  }
0x42: {  	_ =	shalt  }
0x43: {  	_ =	shalt  }
0x44: {  	_ =	shalt  }
0x45: {  	_ =	shalt  }
0x46: {  	_ =	shalt  }
0x47: {  	_ =	shalt  }
0x48: {  	_ =	shalt  }
0x49: {  	_ =	shalt  }
0x4a: {  	_ =	shalt  }
0x4b: {  	_ =	shalt  }
0x4c: {  	_ =	shalt  }
0x4d: {  	_ =	shalt  }
0x4e: {  	_ =	shalt  }
0x4f: {  	_ =	shalt  }
0x50: {  	_ =	shalt  }
0x51: {  	_ =	shalt  }
0x52: {  	_ =	shalt  }
0x53: {  	_ =	shalt  }
0x54: {  	_ =	shalt  }
0x55: {  	_ =	shalt  }
0x56: {  	_ =	shalt  }
0x57: {  	_ =	shalt  }
0x58: {  	_ =	shalt  }
0x59: {  	_ =	shalt  }
0x5a: {  	_ =	shalt  }
0x5b: {  	_ =	shalt  }
0x5c: {  	_ =	shalt  }
0x5d: {  	_ =	shalt  }
0x5e: {  	_ =	shalt  }
0x5f: {  	_ =	shalt  }
0x60: {  	_ =	shalt  }
0x61: {  	_ =	shalt  }
0x62: {  	_ =	shalt  }
0x63: {  	_ =	shalt  }
0x64: {  	_ =	shalt  }
0x65: {  	_ =	shalt  }
0x66: {  	_ =	shalt  }
0x67: {  	_ =	shalt  }
0x68: {  	_ =	shalt  }
0x69: {  	_ =	shalt  }
0x6a: {  	_ =	shalt  }
0x6b: {  	_ =	shalt  }
0x6c: {  	_ =	shalt  }
0x6d: {  	_ =	shalt  }
0x6e: {  	_ =	shalt  }
0x6f: {  	_ =	shalt  }
0x70: {  	_ =	shalt  }
0x71: {  	_ =	shalt  }
0x72: {  	_ =	shalt  }
0x73: {  	_ =	shalt  }
0x74: {  	_ =	shalt  }
0x75: {  	_ =	shalt  }
0x76: {  	_ =	shalt  }
0x77: {  	_ =	shalt  }
0x78: {  	_ =	shalt  }
0x79: {  	_ =	shalt  }
0x7a: {  	_ =	shalt  }
0x7b: {  	_ =	shalt  }
0x7c: {  	_ =	shalt  }
0x7d: {  	_ =	shalt  }
0x7e: {  	_ =	shalt  }
0x7f: {  	_ =	shalt  }
0x80: {  	_ =	shalt  }
0x81: {  	_ =	shalt  }
0x82: {  	_ =	shalt  }
0x83: {  	_ =	shalt  }
0x84: {  	_ =	shalt  }
0x85: {  	_ =	shalt  }
0x86: {  	_ =	shalt  }
0x87: {  	_ =	shalt  }
.Lfunc_end0:
.L_simem_size_0:
called_computation_lowered:
.L_overlay_start_0:
0x88: {  	s2 =	sld [smem:$0x3FD9]  }
0x89: {  	s3 =	sld [smem:$0x3FFE];
	_ =	sdelay $0x1  }
0x8a: {  	s1 =	srdreg.scid  }
0x8b: {  	s0 =	sand.u32 $0x1, s1  }
0x8c: {  	s17 =	sshll.u32 s0, $0xA;
	s2 =	sadd.s32 s3, s2  }
0x8d: {  	s2 =	sadd.s32 s2, s17  }
0x8e: {  	[smem:$0x3FBD] =	sst s2  }
0x8f: {  	_ = 	snop  }
0x90: {  	s2 =	sld [smem:$0x3FD0];
	(tm) =	ssettm $0x1  }
0x91: {  	s18 =	sld [smem:$0x3FFB];
	_ =	sdelay $0x3  }
0x92: {  	_ =	strace s18  }
0x93: {  	s3 =	sld [smem:$0x3FFC];
	_ =	sdelay $0x3  }
0x94: {  	_ =	strace s3  }
0x95: {  	s3 =	sld [smem:$0x3FFD];
	_ =	sdelay $0x3  }
0x96: {  	_ =	strace s3  }
0x97: {  	_ =	strace $0x8FFFFFFF  }
0x98: {  	s19 =	sld [smem:$0x3FDB];
	_ =	sdelay $0x1  }
0x99: {  	s4 =	simm.s32 $_scs_section_size  }
0x9a: {  	s5 =	simm.s32 $_size__tile_overlayer_lowered;
	s6 =	simm.s32 $_tile_overlayer_lowered  }
0x9b: {  	s22 =	simm.s32 $0x1BFF;
	s21 =	sshll.u32 s6, $0x1;
	s3 =	sadd.s32 s4, s19  }
0x9c: {  	s7 =	simm.s32 $0x0;
	s20 =	sshll.u32 s5, $0x1;
	s5 =	sadd.s32 s21, s3  }
0x9d: {  	[timem:s7], [sflag:s22] =	dma.local [hbm:s5], s20  }
0x9e: {  	_ =	swait.ge [sflag:s22], s20  }
0x9f: {  	s4 =	ssub.s32 $0x0, s20;
	[sflag:s22] =	ssyncset.done $0x0  }
0xa0: {  	[sflag:s22] =	ssyncadd.s32 s4;
	_ =	sdelay $0x1  }
0xa1: {  	s23 =	simm.s32 $0x1B8B  }
0xa2: {  	_ =	swait.ge [sflag:s23], $0x1  }
0xa3: {  	[sflag:s23] =	ssyncset.done $0x0  }
0xa4: {  	s25 =	simm.s32 $0x1B8E;
	s24 =	sld [smem:$0x3FFE];
	[sflag:s23] =	ssyncadd.s32 $0xFFFFFFFF  }
0xa5: {  	s26 =	simm.s32 $execute0_lowered;
	[smem:$0x3FD2] =	sst s25  }
0xa6: {  	s5 =	sshll.u32 s26, $0x1;
	_ =	strace $0x80000046;
	[dreg:$0x1] =	wrdreg $0xFFFFFFFF  }
0xa7: {  	s28 =	simm.s32 $_size_execute0_lowered;
	s3 =	sadd.s32 s3, s5;
	[dreg:$0x0] =	wrdreg $0x0  }
0xa8: {  	s5 =	sshll.u32 s28, $0x1;
	[dreg:$0x2] =	wrdreg s3  }
0xa9: {  	[dreg:$0x3] =	wrdreg s5  }
0xaa: {  	[dreg:$0x4] =	wrdreg $0xC0  }
0xab: {  	_ =	task [dreg:s7], $0x5FFFF  }
0xac: {  	[dreg:$0x1] =	wrdreg $0xFFFFFFFF  }
0xad: {  	[dreg:$0x0] =	wrdreg $0x60  }
0xae: {  	[dreg:$0x2] =	wrdreg s2  }
0xaf: {  	[dreg:$0x3] =	wrdreg s24  }
0xb0: {  	[dreg:$0x4] =	wrdreg $0x9  }
0xb1: {  	_ =	task.clear_ibuf [dreg:s7], $0x5FFFF;
	_ =	strace $0x90000046  }
0xb2: {  	s29 =	simm.s32 $0x9;
	_ =	strace $0x80000048  }
0xb3: {  	_ =	swait.ge [sflag:s29], $0x1  }
0xb4: {  	[sflag:s29] =	ssyncadd.s32 $0xFFFFFFFF  }
0xb5: {  	_ =	strace $0x90000048  }
0xb6: {  	_ =	sfence  }
0xb7: {  	s30 =	sld [smem:$0x0];
	_ =	sdelay $0x2  }
0xb8: {  	s31 =	sshll.u32 s1, $0xD;
	s1 =	sshrl.u32 s1, $0x2  }
0xb9: {  	s3 =	sand.u32 $0x4000, s31;
	s1 =	sadd.s32 s1, s30  }
0xba: {  	s0 =	sor.u32 s3, s0;
	s1 =	sshll.u32 s1, $0x11  }
0xbb: {  	s0 =	sor.u32 s1, s0  }
0xbc: {  	s0 =	sadd.s32 $0x8F2B, s0  }
0xbd: {  	[sflag:s0] =	ssyncadd.remote.s32 $0x1  }
0xbe: {  	_ =	sfence.sel $0xFFFF  }
0xbf: {  	[dreg:$0x0] =	wrdreg $0xFFFFFFFF;
	(pc) =	sbr.abs _section_cstart, $3  }
0xc0: {  	[dreg:$0x1] =	wrdreg $0xFFFFFFFF  }
0xc1: {  	_ =	task.clear_ibuf [dreg:s7], $0x2FFFF;
	_ =	strace $0x9FFFFFFF  }
0xc2: {  	(tm) =	ssettm $0x7FFFFFFF  }
0xc3: {  	_ =	shalt  }
tec
execute0_lowered:
.L_overlay_start_1:
0x0: {  	(tag) =	ssettag $0x1  }
0x1: {  	s1 =	rddreg [dreg:$0x0]  }
0x2: {  	s5 =	rddreg [dreg:$0x1]  }
0x3: {  	s0 =	rddreg [dreg:$0x2];
	s2 =	simm.s32 $0x0;
	s3 =	srdreg.scid  }
0x4: {  	s21 =	stileid.u32;
	s15 =	simm.s32 $0x100;
	s16 =	simm.s32 $0x1100  }
0x5: {  	s17 =	simm.s32 $0x3;
	s18 =	simm.s32 $0x4;
	s19 =	simm.s32 $0x5  }
0x6: {  	s20 =	simm.s32 $0x6;
	[smem:$0x7FF] =	sst s2;
	s9 =	sand.u32 $0x1, s3  }
0x7: {  	s4 =	sshll.u32 s21, $0x1;
	s3 =	sadd.s32 $0x29C00, s5;
	s8 =	sadd.s32 $0x33A00, s5  }
0x8: {  	s12 =	sshll.u32 s21, $0x5;
	s13 =	sshll.u32 s21, $0xA;
	p0 =	sne.s32 s21, $0x0  }
0x9: {  	s21 =	simm.s32 $0x0;
	_ =	strace $0x80000047;
	s6 =	ssub.s32 $0x2, s9  }
0xa: {  	s4 =	sor.u32 s9, s4;
	s11 =	sshll.u32 s9, $0x9;
	s12 =	sadd.s32 s12, s3  }
0xb: {  	s14 =	sshll.u32 s9, $0x4;
	s7 =	sshrl.u32 s6, $0x1;
	s29 =	sshll.u32 s4, $0x4  }
0xc: {  	s30 =	sshll.u32 s4, $0x9;
	s11 =	sadd.s32 s11, s8;
	s31 =	sadd.s32 s14, s12  }
0xd: {  	s12 =	simm.s32 $0x80;
	s14 =	simm.s32 $0x2;
	s10 =	ssub.s32 s6, s7  }
0xe: {  	s5 =	sadd.s32 s3, s29;
	s7 =	sadd.s32 s30, s8;
	s8 =	sadd.s32 $0x9C000, s11  }
0xf: {  	s6 =	sadd.s32 $0x200, s5;
	s7 =	sadd.s32 $0x98000, s7;
	s9 =	smax.u32 s10, $0x1  }
0x10: {  	s10 =	sadd.s32 s13, s11;
	s11 =	sadd.s32 $0x400, s31;
	s13 =	simm.s32 $0x1  }
.LBB2_1:
0x11: {  	[tilespmem:s2], [sflag:$0x1] =	stream.linear.gather [hbm4b:s5+s2], $0x80, $0x38;
	[tilespmem:$0x2100] =	vst v63  }
0x12: {  	_ = 	snop  }
0x13: {  	[tilespmem:s12], [sflag:$0x2] =	stream.linear.gather [hbm4b:s6+s2], $0x80, $0x38;
	[tilespmem:$0x2100] =	vst v63  }
0x14: {  	_ =	swait.ge [sflag:s13], $0x80  }
0x15: {  	[sflag:s13] =	ssyncset.done $0x0  }
0x16: {  	[sflag:s13] =	ssyncadd.s32 $0xFFFFFF80  }
0x17: {  	_ =	swait.ge [sflag:s14], $0x80  }
0x18: {  	[sflag:s14] =	ssyncset.done $0x0  }
0x19: {  	[sflag:s14] =	ssyncadd.s32 $0xFFFFFF80  }
0x1a: {  	[tilespmem:s15], [sflag:$0x3] =	stream.indirect.gather [hbm4b:s1+s12], $0x20, s2, s12, $0xb8;
	[tilespmem:$0x2100] =	vst v63  }
0x1b: {  	_ = 	snop  }
0x1c: {  	[tilespmem:s16], [sflag:$0x4] =	stream.indirect.gather [hbm4b:s1+s12], $0x20, s12, s12, $0xb8;
	[tilespmem:$0x2100] =	vst v63  }
0x1d: {  	_ =	swait.ge [sflag:s17], $0x1000  }
0x1e: {  	[sflag:s17] =	ssyncset.done $0x0  }
0x1f: {  	s22 =	sadd.s32 $0x60, s4;
	[sflag:s17] =	ssyncadd.s32 $0xFFFFF000  }
0x20: {  	[tilespmem:s2], [sflag:$0x1] =	stream.linear.gather [hbm4b:s11+s2], $0x80, $0x38;
	[tilespmem:$0x2100] =	vst v63  }
0x21: {  	p1 =	slt.s32 s22, $0x4E1  }
0x22: {  	[hbm4b:s10+s2] =	stream.linear.scatter [tilespmem:s15], [sflag:$0x5], $0x1000, $0x38;
	[tilespmem:$0x2100] =	vst v63  }
0x23: {  	s22 =	simm.s32 @!p1 $0x4E1;
	_ =	swait.ge [sflag:s18], $0x1000  }
0x24: {  	s22 =	sshll.u32 s22, $0x4;
	[sflag:s18] =	ssyncset.done $0x0  }
0x25: {  	s22 =	sadd.s32 s3, s22;
	[sflag:s18] =	ssyncadd.s32 $0xFFFFF000  }
0x26: {  	[tilespmem:s12], [sflag:$0x2] =	stream.linear.gather [hbm4b:s22+s2], $0x80, $0x38;
	[tilespmem:$0x2100] =	vst v63  }
0x27: {  	s31 =	sadd.s32 $0x4000, s10  }
0x28: {  	[hbm4b:s31+s2] =	stream.linear.scatter [tilespmem:s16], [sflag:$0x6], $0x1000, $0x38;
	[tilespmem:$0x2100] =	vst v63  }
0x29: {  	_ =	swait.ge [sflag:s19], $0x1000  }
0x2a: {  	[sflag:s19] =	ssyncset.done $0x0  }
0x2b: {  	s23 =	smov.u32 s10;
	[sflag:s19] =	ssyncadd.s32 $0xFFFFF000  }
0x2c: {  	s24 =	smov.u32 s11;
	s22 =	simm.s32 $0xA0;
	_ =	swait.ge [sflag:s20], $0x1000  }
.LBB2_2:
0x2d: {  	[sflag:s20] =	ssyncset.done $0x0  }
0x2e: {  	s23 =	sadd.s32 $0x8000, s23;
	s24 =	sadd.s32 $0x400, s24;
	s25 =	smov.u32 s22  }
0x2f: {  	p1 =	sne.s32 s22, $0x4E0;
	s22 =	sadd.s32 $0x40, s22;
	[sflag:s20] =	ssyncadd.s32 $0xFFFFF000  }
0x30: {  	_ =	swait.ge [sflag:s13], $0x80  }
0x31: {  	[sflag:s13] =	ssyncset.done $0x0  }
0x32: {  	[sflag:s13] =	ssyncadd.s32 $0xFFFFFF80  }
0x33: {  	_ =	swait.ge [sflag:s14], $0x80  }
0x34: {  	[sflag:s14] =	ssyncset.done $0x0  }
0x35: {  	[sflag:s14] =	ssyncadd.s32 $0xFFFFFF80  }
0x36: {  	[tilespmem:s15], [sflag:$0x3] =	stream.indirect.gather [hbm4b:s1+s12], $0x20, s2, s12, $0xb8;
	[tilespmem:$0x2100] =	vst v63  }
0x37: {  	_ = 	snop  }
0x38: {  	[tilespmem:s16], [sflag:$0x4] =	stream.indirect.gather [hbm4b:s1+s12], $0x20, s12, s12, $0xb8;
	[tilespmem:$0x2100] =	vst v63  }
0x39: {  	_ =	swait.ge [sflag:s17], $0x1000  }
0x3a: {  	[sflag:s17] =	ssyncset.done $0x0  }
0x3b: {  	[sflag:s17] =	ssyncadd.s32 $0xFFFFF000  }
0x3c: {  	[tilespmem:s2], [sflag:$0x1] =	stream.linear.gather [hbm4b:s24+s2], $0x80, $0x38;
	[tilespmem:$0x2100] =	vst v63  }
0x3d: {  	s25 =	sadd.s32 s25, s4  }
0x3e: {  	[hbm4b:s23+s2] =	stream.linear.scatter [tilespmem:s15], [sflag:$0x5], $0x1000, $0x38;
	[tilespmem:$0x2100] =	vst v63  }
0x3f: {  	p2 =	slt.s32 s25, $0x4E1;
	_ =	swait.ge [sflag:s18], $0x1000  }
0x40: {  	s25 =	simm.s32 @!p2 $0x4E1;
	[sflag:s18] =	ssyncset.done $0x0  }
0x41: {  	s25 =	sshll.u32 s25, $0x4;
	[sflag:s18] =	ssyncadd.s32 $0xFFFFF000  }
0x42: {  	s26 =	sadd.s32 $0x4000, s23;
	s25 =	sadd.s32 s3, s25  }
0x43: {  	[tilespmem:s12], [sflag:$0x2] =	stream.linear.gather [hbm4b:s25+s2], $0x80, $0x38;
	[tilespmem:$0x2100] =	vst v63  }
0x44: {  	_ = 	snop  }
0x45: {  	[hbm4b:s26+s2] =	stream.linear.scatter [tilespmem:s16], [sflag:$0x6], $0x1000, $0x38;
	[tilespmem:$0x2100] =	vst v63  }
.Ltmp0:
0x46: {  	_ = 	snop;
	(pc) =	sbr.rel @p1 .LBB2_2-.Ltmp0, $4  }
0x47: {  	_ =	swait.ge [sflag:s19], $0x1000  }
0x48: {  	[sflag:s19] =	ssyncset.done $0x0  }
0x49: {  	[sflag:s19] =	ssyncadd.s32 $0xFFFFF000  }
0x4a: {  	_ =	swait.ge [sflag:s20], $0x1000  }
0x4b: {  	[sflag:s20] =	ssyncset.done $0x0  }
0x4c: {  	[sflag:s20] =	ssyncadd.s32 $0xFFFFF000  }
0x4d: {  	_ =	swait.ge [sflag:s13], $0x80  }
0x4e: {  	[sflag:s13] =	ssyncset.done $0x0  }
0x4f: {  	[sflag:s13] =	ssyncadd.s32 $0xFFFFFF80  }
0x50: {  	[tilespmem:s15], [sflag:$0x3] =	stream.indirect.gather [hbm4b:s1+s12], $0x20, s2, s12, $0xb8;
	[tilespmem:$0x2100] =	vst v63  }
0x51: {  	_ =	swait.ge [sflag:s17], $0x1000  }
0x52: {  	[sflag:s17] =	ssyncset.done $0x0  }
0x53: {  	[sflag:s17] =	ssyncadd.s32 $0xFFFFF000  }
0x54: {  	[hbm4b:s7+s2] =	stream.linear.scatter [tilespmem:s15], [sflag:$0x5], $0x1000, $0x38;
	[tilespmem:$0x2100] =	vst v63  }
0x55: {  	_ =	swait.ge [sflag:s14], $0x80  }
0x56: {  	[sflag:s14] =	ssyncset.done $0x0  }
0x57: {  	s22 =	simm.s32 @!p0 $0x80;
	s23 =	simm.s32 @!p0 $0x1100;
	[sflag:s14] =	ssyncadd.s32 $0xFFFFFF80  }
0x58: {  	[tilespmem:s23], [sflag:$0x4] =	stream.indirect.gather @!p0 [hbm4b:s1+s22], $0x20, s22, s22, $0xb8;
	[tilespmem:$0x2100] =	vst v63  }
0x59: {  	s22 =	simm.s32 @!p0 $0x4  }
0x5a: {  	_ =	swait.ge @!p0 [sflag:s22], $0x1000  }
0x5b: {  	[sflag:s22] =	ssyncset.done @!p0 $0x0  }
0x5c: {  	[sflag:s22] =	ssyncadd.s32 @!p0 $0xFFFFF000;
	s22 =	simm.s32 @!p0 $0x0  }
0x5d: {  	[hbm4b:s8+s22] =	stream.linear.scatter @!p0 [tilespmem:s23], [sflag:$0x6], $0x1000, $0x38;
	[tilespmem:$0x2100] =	vst v63  }
0x5e: {  	s21 =	sadd.s32 $0x1, s21;
	s22 =	simm.s32 @!p0 $0x6  }
0x5f: {  	p1 =	sne.s32 s21, s9;
	_ =	swait.ge @!p0 [sflag:s22], $0x1000  }
.Ltmp1:
0x60: {  	[sflag:s22] =	ssyncset.done @!p0 $0x0;
	(pc) =	sbr.rel @p1 .LBB2_1-.Ltmp1, $4  }
0x61: {  	[sflag:s22] =	ssyncadd.s32 @!p0 $0xFFFFF000  }
0x62: {  	_ =	swait.ge [sflag:s19], $0x1000  }
0x63: {  	[sflag:s19] =	ssyncset.done $0x0  }
0x64: {  	[sflag:s19] =	ssyncadd.s32 $0xFFFFF000  }
0x65: {  	_ =	sfence.sel $0x180000  }
0x66: {  	[bflag:$0x0] =	sbarrier.arrive $0xFFFF  }
0x67: {  	_ =	strace $0x90000047  }
0x68: {  	s0 =	sadd.s32 @!p0 $0x100000, s0;
	[bflag:$0x2] =	sbarrier.arrive $0xFFFF  }
0x69: {  	[sflag:s0] =	ssyncadd.tile.s32 @!p0 $0x1;
	_ =	shalt  }
.Lfunc_end2:
_tile_overlayer_lowered:
.L_overlay_start_2:
0x6a: {  	(tag) =	ssettag $0x2  }
0x6b: {  	s0 =	rddreg [dreg:$0x0];
	s2 =	stileid.u32  }
0x6c: {  	s1 =	rddreg [dreg:$0x1];
	p0 =	sne.s32 s2, $0x0  }
0x6d: {  	s3 =	rddreg [dreg:$0x2];
	[bflag:$0x3] =	sbarrier.arrive $0xFFFF;
	s2 =	simm.s32 @!p0 $0x1C07  }
0x6e: {  	[timem:s3], [sflag:s2] =	dma.local @!p0 [hbm:s0], s1  }
0x6f: {  	s0 =	simm.s32 @!p0 $0x7  }
0x70: {  	_ =	swait.ge @!p0 [sflag:s0], s1  }
0x71: {  	s1 =	ssub.s32 @!p0 $0x0, s1;
	[sflag:s0] =	ssyncset.done @!p0 $0x0  }
0x72: {  	[sflag:s0] =	ssyncadd.s32 @!p0 s1  }
0x73: {  	[bflag:$0x3] =	sbarrier.arrive $0xFFFF  }
0x74: {  	_ =	shalt  }

// kernel: kernel.9.cloned.1.call-start
scs
__scs_entry_jumppad:
0x0: {  	(pc) =	sbr.rel $0x88, $3  }
0x1: {  	(tag) =	ssettag $0x0;
	lr =	simm.s32 $0x1  }
0x2: {  	[smem:$0x3F96] =	sst lr;
	_ =	strace $0xD0000000  }
0x3: {  	_ = 	snop  }
0x4: {  	_ = 	snop  }
0x5: {  	_ = 	snop  }
0x6: {  	_ = 	snop  }
0x7: {  	_ = 	snop  }
__scs_overlays_trampoline_lowered:
0x8: {  	[smem:$0x3FA5] =	sst s0  }
0x9: {  	[smem:$0x3FA6] =	sst s1  }
0xa: {  	[smem:$0x3FA7] =	sst s2  }
0xb: {  	[smem:$0x3FA8] =	sst s3  }
0xc: {  	[smem:$0x3FA9] =	sst s4  }
0xd: {  	[smem:$0x3FAA] =	sst s5  }
0xe: {  	[smem:$0x3FAB] =	sst s6  }
0xf: {  	[smem:$0x3FAC] =	sst s7  }
0x10: {  	[smem:$0x3FAD] =	sst s8  }
0x11: {  	[smem:$0x3FAE] =	sst s9;
	s0 =	simm.s32 @!p0 $0x0  }
0x12: {  	s1 =	sld [smem:$0x3F94];
	s0 =	simm.s32 @p0 $0x1  }
0x13: {  	[smem:$0x3FAF] =	sst s0;
	s0 =	simm.s32 @!p1 $0x0  }
0x14: {  	s2 =	sld [smem:$0x3F93];
	s0 =	simm.s32 @p1 $0x1  }
0x15: {  	[smem:$0x3FB0] =	sst s0;
	s0 =	simm.s32 @!p2 $0x0  }
0x16: {  	s3 =	sld [smem:$0x3FDB];
	s0 =	simm.s32 @p2 $0x1  }
0x17: {  	s4 =	simm.s32 $0x1BF5;
	[smem:$0x3FB2] =	sst s0  }
0x18: {  	s0 =	sld [smem:$0x3F95];
	_ =	swait.ge [sflag:s4], $0x0  }
0x19: {  	s7 =	sld [smem:$0x3F96]  }
0x1a: {  	s8 =	sadd.s32 $0xFFFFE003, lr  }
0x1b: {  	s9 =	sadd.s32 $0xFFFFFEF7, lr;
	s5 =	simm.s32 $0xFFFFFFFF;
	p2 =	slt.u32 s8, $0xFFFFF086  }
0x1c: {  	p1 =	slt.u32 s9, $0xF7A;
	s5 =	simm.s32 @!p2 $0x0  }
0x1d: {  	s5 =	simm.s32 @p1 $0x1;
	p0 =	seq.s32 s7, s2  }
0x1e: {  	s7 =	smul.u32 @!p0 $0xF7A, s2;
	p2 =	seq.s32 @!p0 s5, $0x0  }
0x1f: {  	s9 =	smul.u32 $0xF7A, s1;
	s8 =	simm.s32 @!p0 $0x1BF5;
	p2 =	por !p2, p0  }
0x20: {  	[sflag:s8] =	ssyncset.s32 @!p0 $0xFFFFF086;
	s6 =	sadd.s32 @!p0 s3, s7;
	s7 =	simm.s32 @!p0 $0x108  }
0x21: {  	s3 =	sadd.s32 s3, s9;
	s6 =	sadd.s32 @!p0 $0x88, s6;
	s7 =	simm.s32 @p2 $0x1082  }
0x22: {  	[simem:s7], [sflag:s8] =	dma.local @!p0 [hbm:s6], $0xF7A  }
0x23: {  	s9 =	sor.u32 $0xD0000000, s2;
	s6 =	simm.s32 $0x108;
	_ =	swait.ge @!p0 [sflag:s8], $0x0  }
0x24: {  	s3 =	sadd.s32 $0x88, s3;
	s6 =	simm.s32 @!p1 $0x1082;
	[sflag:s4] =	ssyncset.s32 $0xFFFFF086  }
0x25: {  	[simem:s6], [sflag:s4] =	dma.local [hbm:s3], $0xF7A  }
0x26: {  	[smem:$0x3F96] =	sst s1;
	(tag) =	ssettag s2;
	_ =	strace s9  }
0x27: {  	s1 =	sld [smem:$0x3FA6]  }
0x28: {  	s2 =	sld [smem:$0x3FA7]  }
0x29: {  	s4 =	sld [smem:$0x3FA9]  }
0x2a: {  	p0 =	seq.s32 s5, $0x0;
	s5 =	sld [smem:$0x3FAA]  }
0x2b: {  	s6 =	sld [smem:$0x3FAB]  }
0x2c: {  	s7 =	sld [smem:$0x3FAC]  }
0x2d: {  	s3 =	simm.s32 $0x108;
	s8 =	sld [smem:$0x3FAD]  }
0x2e: {  	s3 =	simm.s32 @!p0 $0x1082;
	s9 =	sld [smem:$0x3FAE]  }
0x2f: {  	lr =	sadd.s32 s0, s3;
	s0 =	sld [smem:$0x3FA5]  }
0x30: {  	s3 =	sld [smem:$0x3FA8]  }
0x31: {  	[smem:$0x3FB1] =	sst s10  }
0x32: {  	s10 =	sld [smem:$0x3FAF];
	_ =	sdelay $0x3  }
0x33: {  	p0 =	seq.s32 s10, $0x1;
	s10 =	sld [smem:$0x3FB1];
	_ =	sdelay $0x3  }
0x34: {  	[smem:$0x3FB1] =	sst s10  }
0x35: {  	s10 =	sld [smem:$0x3FB0];
	_ =	sdelay $0x3  }
0x36: {  	p1 =	seq.s32 s10, $0x1;
	s10 =	sld [smem:$0x3FB1];
	_ =	sdelay $0x3  }
0x37: {  	[smem:$0x3FB1] =	sst s10  }
0x38: {  	s10 =	sld [smem:$0x3FB2]  }
0x39: {  	_ = 	snop;
	(pc) =	sbr.ind lr, $3  }
0x3a: {  	_ = 	snop  }
0x3b: {  	_ = 	snop  }
0x3c: {  	p2 =	seq.s32 s10, $0x1;
	s10 =	sld [smem:$0x3FB1]  }
0x3d: {  	_ =	shalt  }
0x3e: {  	_ =	shalt  }
0x3f: {  	_ =	shalt  }
0x40: {  	_ =	shalt  }
0x41: {  	_ =	shalt  }
0x42: {  	_ =	shalt  }
0x43: {  	_ =	shalt  }
0x44: {  	_ =	shalt  }
0x45: {  	_ =	shalt  }
0x46: {  	_ =	shalt  }
0x47: {  	_ =	shalt  }
0x48: {  	_ =	shalt  }
0x49: {  	_ =	shalt  }
0x4a: {  	_ =	shalt  }
0x4b: {  	_ =	shalt  }
0x4c: {  	_ =	shalt  }
0x4d: {  	_ =	shalt  }
0x4e: {  	_ =	shalt  }
0x4f: {  	_ =	shalt  }
0x50: {  	_ =	shalt  }
0x51: {  	_ =	shalt  }
0x52: {  	_ =	shalt  }
0x53: {  	_ =	shalt  }
0x54: {  	_ =	shalt  }
0x55: {  	_ =	shalt  }
0x56: {  	_ =	shalt  }
0x57: {  	_ =	shalt  }
0x58: {  	_ =	shalt  }
0x59: {  	_ =	shalt  }
0x5a: {  	_ =	shalt  }
0x5b: {  	_ =	shalt  }
0x5c: {  	_ =	shalt  }
0x5d: {  	_ =	shalt  }
0x5e: {  	_ =	shalt  }
0x5f: {  	_ =	shalt  }
0x60: {  	_ =	shalt  }
0x61: {  	_ =	shalt  }
0x62: {  	_ =	shalt  }
0x63: {  	_ =	shalt  }
0x64: {  	_ =	shalt  }
0x65: {  	_ =	shalt  }
0x66: {  	_ =	shalt  }
0x67: {  	_ =	shalt  }
0x68: {  	_ =	shalt  }
0x69: {  	_ =	shalt  }
0x6a: {  	_ =	shalt  }
0x6b: {  	_ =	shalt  }
0x6c: {  	_ =	shalt  }
0x6d: {  	_ =	shalt  }
0x6e: {  	_ =	shalt  }
0x6f: {  	_ =	shalt  }
0x70: {  	_ =	shalt  }
0x71: {  	_ =	shalt  }
0x72: {  	_ =	shalt  }
0x73: {  	_ =	shalt  }
0x74: {  	_ =	shalt  }
0x75: {  	_ =	shalt  }
0x76: {  	_ =	shalt  }
0x77: {  	_ =	shalt  }
0x78: {  	_ =	shalt  }
0x79: {  	_ =	shalt  }
0x7a: {  	_ =	shalt  }
0x7b: {  	_ =	shalt  }
0x7c: {  	_ =	shalt  }
0x7d: {  	_ =	shalt  }
0x7e: {  	_ =	shalt  }
0x7f: {  	_ =	shalt  }
0x80: {  	_ =	shalt  }
0x81: {  	_ =	shalt  }
0x82: {  	_ =	shalt  }
0x83: {  	_ =	shalt  }
0x84: {  	_ =	shalt  }
0x85: {  	_ =	shalt  }
0x86: {  	_ =	shalt  }
0x87: {  	_ =	shalt  }
.Lfunc_end0:
.L_simem_size_0:
called_computation.1_lowered:
.L_overlay_start_0:
0x88: {  	s2 =	sld [smem:$0x3FD9]  }
0x89: {  	s3 =	sld [smem:$0x3FFE];
	_ =	sdelay $0x1  }
0x8a: {  	s1 =	srdreg.scid  }
0x8b: {  	s0 =	sand.u32 $0x1, s1  }
0x8c: {  	s17 =	sshll.u32 s0, $0xA;
	s2 =	sadd.s32 s3, s2  }
0x8d: {  	s2 =	sadd.s32 s2, s17  }
0x8e: {  	[smem:$0x3FBD] =	sst s2  }
0x8f: {  	_ = 	snop  }
0x90: {  	s2 =	sld [smem:$0x3FD0];
	(tm) =	ssettm $0x1  }
0x91: {  	s18 =	sld [smem:$0x3FFB];
	_ =	sdelay $0x3  }
0x92: {  	_ =	strace s18  }
0x93: {  	s3 =	sld [smem:$0x3FFC];
	_ =	sdelay $0x3  }
0x94: {  	_ =	strace s3  }
0x95: {  	s3 =	sld [smem:$0x3FFD];
	_ =	sdelay $0x3  }
0x96: {  	_ =	strace s3  }
0x97: {  	_ =	strace $0x8FFFFFFF  }
0x98: {  	s19 =	sld [smem:$0x3FDB];
	_ =	sdelay $0x1  }
0x99: {  	s4 =	simm.s32 $_scs_section_size  }
0x9a: {  	s5 =	simm.s32 $_size__tile_overlayer_lowered;
	s6 =	simm.s32 $_tile_overlayer_lowered  }
0x9b: {  	s22 =	simm.s32 $0x1BFF;
	s21 =	sshll.u32 s6, $0x1;
	s3 =	sadd.s32 s4, s19  }
0x9c: {  	s7 =	simm.s32 $0x0;
	s20 =	sshll.u32 s5, $0x1;
	s5 =	sadd.s32 s21, s3  }
0x9d: {  	[timem:s7], [sflag:s22] =	dma.local [hbm:s5], s20  }
0x9e: {  	_ =	swait.ge [sflag:s22], s20  }
0x9f: {  	s4 =	ssub.s32 $0x0, s20;
	[sflag:s22] =	ssyncset.done $0x0  }
0xa0: {  	[sflag:s22] =	ssyncadd.s32 s4;
	_ =	sdelay $0x1  }
0xa1: {  	s23 =	simm.s32 $0x1B8B  }
0xa2: {  	_ =	swait.ge [sflag:s23], $0x1  }
0xa3: {  	[sflag:s23] =	ssyncset.done $0x0  }
0xa4: {  	s25 =	simm.s32 $0x1B8E;
	s24 =	sld [smem:$0x3FFE];
	[sflag:s23] =	ssyncadd.s32 $0xFFFFFFFF  }
0xa5: {  	s26 =	simm.s32 $execute0_lowered;
	[smem:$0x3FD2] =	sst s25  }
0xa6: {  	s5 =	sshll.u32 s26, $0x1;
	_ =	strace $0x80000049;
	[dreg:$0x1] =	wrdreg $0xFFFFFFFF  }
0xa7: {  	s28 =	simm.s32 $_size_execute0_lowered;
	s3 =	sadd.s32 s3, s5;
	[dreg:$0x0] =	wrdreg $0x0  }
0xa8: {  	s5 =	sshll.u32 s28, $0x1;
	[dreg:$0x2] =	wrdreg s3  }
0xa9: {  	[dreg:$0x3] =	wrdreg s5  }
0xaa: {  	[dreg:$0x4] =	wrdreg $0xC0  }
0xab: {  	_ =	task [dreg:s7], $0x5FFFF  }
0xac: {  	[dreg:$0x1] =	wrdreg $0xFFFFFFFF  }
0xad: {  	[dreg:$0x0] =	wrdreg $0x60  }
0xae: {  	[dreg:$0x2] =	wrdreg s24  }
0xaf: {  	[dreg:$0x3] =	wrdreg s2  }
0xb0: {  	[dreg:$0x4] =	wrdreg $0x21000  }
0xb1: {  	[dreg:$0x5] =	wrdreg $0x9  }
0xb2: {  	_ =	task.clear_ibuf [dreg:s7], $0x6FFFF;
	_ =	strace $0x90000049  }
0xb3: {  	s29 =	simm.s32 $0x9;
	_ =	strace $0x8000004B  }
0xb4: {  	_ =	swait.ge [sflag:s29], $0x1  }
0xb5: {  	[sflag:s29] =	ssyncadd.s32 $0xFFFFFFFF  }
0xb6: {  	_ =	strace $0x9000004B  }
0xb7: {  	_ =	sfence  }
0xb8: {  	s30 =	sld [smem:$0x0];
	_ =	sdelay $0x2  }
0xb9: {  	s31 =	sshll.u32 s1, $0xD;
	s1 =	sshrl.u32 s1, $0x2  }
0xba: {  	s3 =	sand.u32 $0x4000, s31;
	s1 =	sadd.s32 s1, s30  }
0xbb: {  	s0 =	sor.u32 s3, s0;
	s1 =	sshll.u32 s1, $0x11  }
0xbc: {  	s0 =	sor.u32 s1, s0  }
0xbd: {  	s0 =	sadd.s32 $0x8F2B, s0  }
0xbe: {  	[sflag:s0] =	ssyncadd.remote.s32 $0x1  }
0xbf: {  	_ =	sfence.sel $0xFFFF  }
0xc0: {  	[dreg:$0x0] =	wrdreg $0xFFFFFFFF;
	(pc) =	sbr.abs _section_cstart, $3  }
0xc1: {  	[dreg:$0x1] =	wrdreg $0xFFFFFFFF  }
0xc2: {  	_ =	task.clear_ibuf [dreg:s7], $0x2FFFF;
	_ =	strace $0x9FFFFFFF  }
0xc3: {  	(tm) =	ssettm $0x7FFFFFFF  }
tec
execute0_lowered:
.L_overlay_start_1:
0x0: {  	(tag) =	ssettag $0x1  }
0x1: {  	s6 =	rddreg [dreg:$0x0]  }
0x2: {  	s5 =	rddreg [dreg:$0x1]  }
0x3: {  	s1 =	rddreg [dreg:$0x2]  }
0x4: {  	s0 =	rddreg [dreg:$0x3];
	s3 =	srdreg.scid  }
0x5: {  	s25 =	stileid.u32;
	s2 =	simm.s32 $0x0;
	s13 =	sand.u32 $0x1, s3  }
0x6: {  	s4 =	smul.u32 $0x9C4, s25;
	[smem:$0x7FF] =	sst s2;
	s3 =	sadd.s32 $0x33A00, s6  }
0x7: {  	s8 =	sshll.u32 s25, $0x5;
	s9 =	smul.u32 $0x4E20, s25;
	s21 =	sshll.u32 s25, $0x1  }
0x8: {  	s23 =	sshll.u32 s25, $0x6;
	s18 =	sshll.u32 s25, $0xA;
	p0 =	sne.s32 s25, $0x0  }
0x9: {  	s25 =	simm.s32 $0x0;
	s7 =	smul.u32 $0x9C40, s13;
	_ =	strace $0x8000004A  }
0xa: {  	s19 =	ssub.s32 $0x2, s13;
	s14 =	sadd.s32 s8, s6;
	s28 =	sshll.u32 s13, $0x4  }
0xb: {  	s29 =	sadd.s32 s18, s3;
	s30 =	sshll.u32 s13, $0x9;
	s18 =	simm.s32 $0x100  }
0xc: {  	s20 =	sshrl.u32 s19, $0x1;
	s22 =	sshrl.u32 s9, $0x3;
	s16 =	sadd.s32 s9, s1  }
0xd: {  	s14 =	sadd.s32 s28, s14;
	s31 =	sadd.s32 s30, s29;
	s4 =	sadd.s32 s4, s7  }
0xe: {  	s15 =	ssub.s32 s19, s20;
	s5 =	sadd.s32 s5, s22;
	s7 =	sor.u32 $0x1C05, s23  }
0xf: {  	s14 =	sadd.s32 $0x2EE20, s14;
	s16 =	sshrl.u32 s16, $0x3;
	s19 =	simm.s32 $0x80  }
0x10: {  	s20 =	simm.s32 $0x1100;
	s22 =	simm.s32 $0x3;
	s23 =	simm.s32 $0x2  }
0x11: {  	s12 =	sadd.s32 s4, s6;
	s4 =	sor.u32 s13, s21;
	s6 =	sadd.s32 $0x2EA20, s6  }
0x12: {  	s13 =	smax.u32 s15, $0x1;
	s15 =	sadd.s32 $0x8000, s31;
	s21 =	simm.s32 $0x1  }
0x13: {  	s24 =	sshll.u32 s4, $0x4;
	s26 =	sor.u32 $0x20, s4;
	s10 =	sshll.u32 s4, $0x9  }
0x14: {  	s12 =	sadd.s32 $0xCFE00, s12;
	s8 =	sadd.s32 s24, s6;
	s11 =	sshll.u32 s26, $0x4  }
0x15: {  	s17 =	sshll.u32 s26, $0x9;
	s9 =	sadd.s32 s3, s10;
	s24 =	simm.s32 $0x4  }
0x16: {  	s10 =	sadd.s32 s11, s6;
	s11 =	sadd.s32 s3, s17;
	s17 =	simm.s32 $0x5  }
.LBB2_1:
0x17: {  	[spmem:s16], [sflag:s7] =	dma.local [hbm:s5], $0x9C4  }
0x18: {  	_ =	swait.ge [sflag:s17], $0x9C4  }
0x19: {  	[sflag:s17] =	ssyncset.done $0x0  }
0x1a: {  	[sflag:s17] =	ssyncadd.s32 $0xFFFFF63C  }
0x1b: {  	[bflag:$0x0] =	sbarrier.arrive $0xFFFF  }
0x1c: {  	[tilespmem:s2], [sflag:$0x1] =	stream.linear.gather [hbm4b:s8+s2], $0x80, $0x38;
	[tilespmem:$0x6F20] =	vst v63  }
0x1d: {  	_ = 	snop  }
0x1e: {  	[tilespmem:s18], [sflag:$0x3] =	stream.linear.gather [hbm4b:s9+s2], $0x1000, $0x38;
	[tilespmem:$0x6F20] =	vst v63  }
0x1f: {  	_ = 	snop  }
0x20: {  	[tilespmem:s19], [sflag:$0x2] =	stream.linear.gather [hbm4b:s10+s2], $0x80, $0x38;
	[tilespmem:$0x6F20] =	vst v63  }
0x21: {  	_ = 	snop  }
0x22: {  	[tilespmem:s20], [sflag:$0x4] =	stream.linear.gather [hbm4b:s11+s2], $0x1000, $0x38;
	[tilespmem:$0x6F20] =	vst v63  }
0x23: {  	_ =	swait.ge [sflag:s21], $0x80  }
0x24: {  	[sflag:s21] =	ssyncset.done $0x0  }
0x25: {  	[sflag:s21] =	ssyncadd.s32 $0xFFFFFF80  }
0x26: {  	_ =	swait.ge [sflag:s22], $0x1000  }
0x27: {  	[sflag:s22] =	ssyncset.done $0x0  }
0x28: {  	[sflag:s22] =	ssyncadd.s32 $0xFFFFF000  }
0x29: {  	[spmem:s1] =	stream.indirect.scatter.add.f32 [tilespmem:s18], [sflag:$0x5], $0x20, s2, s19, $0xb8;
	[tilespmem:$0x6F20] =	vst v63  }
0x2a: {  	_ =	swait.ge [sflag:s17], $0x1000  }
0x2b: {  	[sflag:s17] =	ssyncset.done $0x0  }
0x2c: {  	[sflag:s17] =	ssyncadd.s32 $0xFFFFF000  }
0x2d: {  	[tilespmem:s2], [sflag:$0x1] =	stream.linear.gather [hbm4b:s14+s2], $0x80, $0x38;
	[tilespmem:$0x6F20] =	vst v63  }
0x2e: {  	_ = 	snop  }
0x2f: {  	[tilespmem:s18], [sflag:$0x3] =	stream.linear.gather [hbm4b:s15+s2], $0x1000, $0x38;
	[tilespmem:$0x6F20] =	vst v63  }
0x30: {  	_ =	swait.ge [sflag:s23], $0x80  }
0x31: {  	[sflag:s23] =	ssyncset.done $0x0  }
0x32: {  	[sflag:s23] =	ssyncadd.s32 $0xFFFFFF80  }
0x33: {  	_ =	swait.ge [sflag:s24], $0x1000  }
0x34: {  	s26 =	sadd.s32 $0x60, s4;
	[sflag:s24] =	ssyncset.done $0x0  }
0x35: {  	p1 =	slt.s32 s26, $0x4E1;
	[sflag:s24] =	ssyncadd.s32 $0xFFFFF000  }
0x36: {  	[spmem:s1] =	stream.indirect.scatter.add.f32 [tilespmem:s20], [sflag:$0x5], $0x20, s19, s19, $0xb8;
	[tilespmem:$0x6F20] =	vst v63  }
0x37: {  	s26 =	simm.s32 @!p1 $0x4E1;
	_ =	swait.ge [sflag:s17], $0x1000  }
0x38: {  	s28 =	sshll.u32 s26, $0x4;
	[sflag:s17] =	ssyncset.done $0x0  }
0x39: {  	s28 =	sadd.s32 s28, s6;
	[sflag:s17] =	ssyncadd.s32 $0xFFFFF000  }
0x3a: {  	[tilespmem:s19], [sflag:$0x2] =	stream.linear.gather [hbm4b:s28+s2], $0x80, $0x38;
	[tilespmem:$0x6F20] =	vst v63  }
0x3b: {  	s29 =	smov.u32 s15;
	s28 =	sshll.u32 s26, $0x9  }
0x3c: {  	s26 =	simm.s32 $0xA0;
	s30 =	sadd.s32 s3, s28;
	s28 =	smov.u32 s14  }
.LBB2_2:
0x3d: {  	p1 =	sne.s32 s26, $0x4E0;
	s28 =	sadd.s32 $0x400, s28;
	s29 =	sadd.s32 $0x8000, s29  }
0x3e: {  	[tilespmem:s20], [sflag:$0x4] =	stream.linear.gather [hbm4b:s30+s2], $0x1000, $0x38;
	[tilespmem:$0x6F20] =	vst v63  }
0x3f: {  	s30 =	smov.u32 s26;
	s26 =	sadd.s32 $0x40, s26;
	_ =	swait.ge [sflag:s21], $0x80  }
0x40: {  	[sflag:s21] =	ssyncset.done $0x0  }
0x41: {  	[sflag:s21] =	ssyncadd.s32 $0xFFFFFF80  }
0x42: {  	_ =	swait.ge [sflag:s22], $0x1000  }
0x43: {  	[sflag:s22] =	ssyncset.done $0x0  }
0x44: {  	[sflag:s22] =	ssyncadd.s32 $0xFFFFF000  }
0x45: {  	[spmem:s1] =	stream.indirect.scatter.add.f32 [tilespmem:s18], [sflag:$0x5], $0x20, s2, s19, $0xb8;
	[tilespmem:$0x6F20] =	vst v63  }
0x46: {  	_ =	swait.ge [sflag:s17], $0x1000  }
0x47: {  	[sflag:s17] =	ssyncset.done $0x0  }
0x48: {  	[sflag:s17] =	ssyncadd.s32 $0xFFFFF000  }
0x49: {  	[tilespmem:s2], [sflag:$0x1] =	stream.linear.gather [hbm4b:s28+s2], $0x80, $0x38;
	[tilespmem:$0x6F20] =	vst v63  }
0x4a: {  	_ = 	snop  }
0x4b: {  	[tilespmem:s18], [sflag:$0x3] =	stream.linear.gather [hbm4b:s29+s2], $0x1000, $0x38;
	[tilespmem:$0x6F20] =	vst v63  }
0x4c: {  	_ =	swait.ge [sflag:s23], $0x80  }
0x4d: {  	[sflag:s23] =	ssyncset.done $0x0  }
0x4e: {  	[sflag:s23] =	ssyncadd.s32 $0xFFFFFF80  }
0x4f: {  	_ =	swait.ge [sflag:s24], $0x1000  }
0x50: {  	[sflag:s24] =	ssyncset.done $0x0  }
0x51: {  	s30 =	sadd.s32 s30, s4;
	[sflag:s24] =	ssyncadd.s32 $0xFFFFF000  }
0x52: {  	[spmem:s1] =	stream.indirect.scatter.add.f32 [tilespmem:s20], [sflag:$0x5], $0x20, s19, s19, $0xb8;
	[tilespmem:$0x6F20] =	vst v63  }
.Ltmp0:
0x53: {  	p2 =	slt.s32 s30, $0x4E1;
	_ =	swait.ge [sflag:s17], $0x1000;
	(pc) =	sbr.rel @p1 .LBB2_2-.Ltmp0, $4  }
0x54: {  	s30 =	simm.s32 @!p2 $0x4E1;
	[sflag:s17] =	ssyncset.done $0x0  }
0x55: {  	s31 =	sshll.u32 s30, $0x4;
	s30 =	sshll.u32 s30, $0x9;
	[sflag:s17] =	ssyncadd.s32 $0xFFFFF000  }
0x56: {  	s31 =	sadd.s32 s31, s6;
	s30 =	sadd.s32 s3, s30  }
0x57: {  	[tilespmem:s19], [sflag:$0x2] =	stream.linear.gather [hbm4b:s31+s2], $0x80, $0x38;
	[tilespmem:$0x6F20] =	vst v63  }
0x58: {  	[tilespmem:s20], [sflag:$0x4] =	stream.linear.gather [hbm4b:s30+s2], $0x1000, $0x38;
	[tilespmem:$0x6F20] =	vst v63  }
0x59: {  	_ =	swait.ge [sflag:s21], $0x80  }
0x5a: {  	[sflag:s21] =	ssyncset.done $0x0  }
0x5b: {  	[sflag:s21] =	ssyncadd.s32 $0xFFFFFF80  }
0x5c: {  	_ =	swait.ge [sflag:s22], $0x1000  }
0x5d: {  	[sflag:s22] =	ssyncset.done $0x0  }
0x5e: {  	[sflag:s22] =	ssyncadd.s32 $0xFFFFF000  }
0x5f: {  	[spmem:s1] =	stream.indirect.scatter.add.f32 [tilespmem:s18], [sflag:$0x5], $0x20, s2, s19, $0xb8;
	[tilespmem:$0x6F20] =	vst v63  }
0x60: {  	_ =	swait.ge [sflag:s17], $0x1000  }
0x61: {  	[sflag:s17] =	ssyncset.done $0x0  }
0x62: {  	[sflag:s17] =	ssyncadd.s32 $0xFFFFF000  }
0x63: {  	_ =	swait.ge [sflag:s23], $0x80  }
0x64: {  	[sflag:s23] =	ssyncset.done $0x0  }
0x65: {  	[sflag:s23] =	ssyncadd.s32 $0xFFFFFF80  }
0x66: {  	_ =	swait.ge [sflag:s24], $0x1000  }
0x67: {  	[sflag:s24] =	ssyncset.done $0x0  }
0x68: {  	s26 =	simm.s32 @!p0 $0x80;
	s28 =	simm.s32 @!p0 $0x1100;
	[sflag:s24] =	ssyncadd.s32 $0xFFFFF000  }
0x69: {  	[spmem:s1] =	stream.indirect.scatter.add.f32 @!p0 [tilespmem:s28], [sflag:$0x5], $0x20, s26, s26, $0xb8;
	[tilespmem:$0x6F20] =	vst v63  }
0x6a: {  	s26 =	simm.s32 @!p0 $0x5  }
0x6b: {  	_ =	swait.ge @!p0 [sflag:s26], $0x1000  }
0x6c: {  	s25 =	sadd.s32 $0x1, s25;
	[sflag:s26] =	ssyncset.done @!p0 $0x0  }
0x6d: {  	p1 =	sne.s32 s25, s13;
	[sflag:s26] =	ssyncadd.s32 @!p0 $0xFFFFF000  }
.Ltmp1:
0x6e: {  	[bflag:$0x0] =	sbarrier.arrive $0xFFFF;
	(pc) =	sbr.rel @p1 .LBB2_1-.Ltmp1, $4  }
0x6f: {  	[hbm:s12], [sflag:s7] =	dma.local [spmem:s16], $0x9C4  }
0x70: {  	_ =	swait.ge [sflag:s17], $0x9C4  }
0x71: {  	[sflag:s17] =	ssyncset.done $0x0  }
0x72: {  	[sflag:s17] =	ssyncadd.s32 $0xFFFFF63C  }
0x73: {  	_ =	sfence.sel $0x180000  }
0x74: {  	[bflag:$0x0] =	sbarrier.arrive $0xFFFF  }
0x75: {  	_ =	strace $0x9000004A  }
0x76: {  	s0 =	sadd.s32 @!p0 $0x100000, s0;
	[bflag:$0x2] =	sbarrier.arrive $0xFFFF  }
0x77: {  	[sflag:s0] =	ssyncadd.tile.s32 @!p0 $0x1;
	_ =	shalt  }
.Lfunc_end2:
_tile_overlayer_lowered:
.L_overlay_start_2:
0x78: {  	(tag) =	ssettag $0x2  }
0x79: {  	s0 =	rddreg [dreg:$0x0];
	s2 =	stileid.u32  }
0x7a: {  	s1 =	rddreg [dreg:$0x1];
	p0 =	sne.s32 s2, $0x0  }
0x7b: {  	s3 =	rddreg [dreg:$0x2];
	[bflag:$0x3] =	sbarrier.arrive $0xFFFF;
	s2 =	simm.s32 @!p0 $0x1C05  }
0x7c: {  	[timem:s3], [sflag:s2] =	dma.local @!p0 [hbm:s0], s1  }
0x7d: {  	s0 =	simm.s32 @!p0 $0x5  }
0x7e: {  	_ =	swait.ge @!p0 [sflag:s0], s1  }
0x7f: {  	s1 =	ssub.s32 @!p0 $0x0, s1;
	[sflag:s0] =	ssyncset.done @!p0 $0x0  }
0x80: {  	[sflag:s0] =	ssyncadd.s32 @!p0 s1  }
0x81: {  	[bflag:$0x3] =	sbarrier.arrive $0xFFFF  }
0x82: {  	_ =	shalt  }

</sc_bundles>
